<compile_context>
chip_gen: v7x
topology: tpu7x:2x2x1
jax: 0.10.2.dev20260603
libtpu: 0.0.44.dev20260713+nightly
codegen_flags: <defaults>
</compile_context>

<pallas_src>
import functools

import jax
import jax.numpy as jnp
from jax import lax
from jax.experimental import pallas as pl
from jax.experimental.pallas import tpu as pltpu
from jax.experimental.pallas import tpu_sc as plsc


def _elu(x):
    return jnp.where(x > 0, x, jnp.exp(x) - 1.0)



def _attr_kernel(x_ref, a_ref, wpre_ref, bpre_ref, wops_ref, bops_ref,
                 wres1_ref, bres1_ref, wres2_ref, bres2_ref, out_ref, *, n_ops):
    h = jnp.dot(x_ref[...], wpre_ref[...],
                preferred_element_type=jnp.float32) + bpre_ref[...]
    a = a_ref[0]
    acc = jnp.zeros_like(h)
    for k in range(1, n_ops + 1):
        o = jnp.dot(h, wops_ref[k - 1],
                    preferred_element_type=jnp.float32) + bops_ref[k - 1]
        acc = acc + jnp.where(a == k, _elu(o), 0.0)
    r = _elu(jnp.dot(acc, wres1_ref[...],
                     preferred_element_type=jnp.float32) + bres1_ref[...])
    r = _elu(jnp.dot(r, wres2_ref[...],
                     preferred_element_type=jnp.float32) + bres2_ref[...])
    out_ref[...] = _elu(acc + r) + h



def _sc_compact_gather(a_hbm, emb_hbm, idx_out, cnt_out, gat_out,
                       a_v, idx_v, idxt_v, cnt_v, rows_v, sem,
                       *, cap, gtile, sent, ncores):
    wid = lax.axis_index("s") * ncores + lax.axis_index("c")
    base = wid * cap

    pltpu.sync_copy(a_hbm.at[pl.ds(base, cap)], a_v)

    fill = jnp.full((16,), sent, dtype=jnp.int32)

    def prefill(i, _):
        idx_v[pl.ds(i * 16, 16)] = fill
        return 0

    lax.fori_loop(0, cap // 16, prefill, 0, unroll=False)

    lane = lax.iota(jnp.int32, 16)

    def body(i, tot):
        v = a_v[pl.ds(i * 16, 16)]
        m = v == 0
        ones = jnp.where(m, 1, 0).astype(jnp.int32)
        pos = plsc.cumsum(ones) - 1
        dest = pos + tot
        gidx = base + i * 16 + lane
        plsc.store_scatter(idx_v, [dest], gidx, mask=m)
        return tot + jnp.sum(ones)

    tot = 0
    _ = body

    cnt_v[...] = jnp.full((16,), 1, jnp.int32) * tot
    pltpu.sync_copy(cnt_v, cnt_out.at[wid])
    pltpu.sync_copy(idx_v, idx_out.at[pl.ds(base, cap)])

    _ = (emb_hbm, gat_out, idxt_v, rows_v, sem)



def _res_mlp_kernel(cnt_ref, gat_ref, embb_ref, wres1_ref, bres1_ref,
                    wres2_ref, bres2_ref, outc_ref, x_v, o_v, sem_in, sem_out,
                    *, cap, tb):
    r = pl.program_id(0)
    cnt = cnt_ref[r]
    ntiles = (cnt + tb - 1) // tb

    def body(t, _):
        start = r * cap + t * tb
        cp_in = pltpu.make_async_copy(gat_ref.at[pl.ds(start, tb)], x_v,
                                      sem_in)
        cp_in.start()
        cp_in.wait()
        h = x_v[...] + embb_ref[...]
        z = _elu(jnp.dot(h, wres1_ref[...],
                         preferred_element_type=jnp.float32) + bres1_ref[...])
        z = _elu(jnp.dot(z, wres2_ref[...],
                         preferred_element_type=jnp.float32) + bres2_ref[...])
        o_v[...] = _elu(h + z)
        cp_out = pltpu.make_async_copy(o_v, outc_ref.at[pl.ds(start, tb)],
                                       sem_out)
        cp_out.start()
        cp_out.wait()
        return 0

    lax.fori_loop(0, ntiles, body, 0, unroll=False)



def _sc_scatter(outc_hbm, idx_hbm, cnt_hbm, buf_out,
                idxt_v, cnt_v, rows_v, sem, *, cap, gtile, ncores):
    wid = lax.axis_index("s") * ncores + lax.axis_index("c")
    base = wid * cap

    pltpu.sync_copy(cnt_hbm.at[wid], cnt_v)
    _ = (outc_hbm, idx_hbm, buf_out, idxt_v, rows_v, sem, base)



def _dtable_kernel(bops_ref, wres1_ref, bres1_ref, wres2_ref, bres2_ref,
                   out_ref):
    c = _elu(bops_ref[...])
    z = _elu(jnp.dot(c, wres1_ref[...],
                     preferred_element_type=jnp.float32) + bres1_ref[...])
    z = _elu(jnp.dot(z, wres2_ref[...],
                     preferred_element_type=jnp.float32) + bres2_ref[...])
    out_ref[...] = _elu(c + z)



def _blend_kernel(buf_ref, a_ref, dtab_ref, out_ref, *, n_tab):
    a = a_ref[0]
    ks = jax.lax.broadcasted_iota(jnp.int32, (1, n_tab), 1)
    oh = (a == ks).astype(jnp.float32)
    const_part = jnp.dot(oh, dtab_ref[...], preferred_element_type=jnp.float32)
    out_ref[...] = jnp.where(a == 0, buf_ref[...], const_part)




def kernel(x_attr, node_assign, W_pre, b_pre, emb_W, emb_b, W_ops, b_ops,
           W_res1, b_res1, W_res2, b_res2):
    n_attr, d_in = x_attr.shape
    n_total = node_assign.shape[0]
    n_unattr = n_total - n_attr
    n_ops, d_hid, _ = W_ops.shape
    d_mid = W_res1.shape[1]

    assign = node_assign.astype(jnp.int32)

    info = plsc.get_sparse_core_info()
    ncores, nsub = info.num_cores, info.num_subcores
    nw = ncores * nsub

    B = 512
    GT = 128
    pa = pl.cdiv(n_attr, B) * B
    pu = pl.cdiv(n_unattr, nw * GT) * nw * GT
    cap = pu // nw
    sent = pu
    pb = pu + B

    b_pre2 = b_pre.reshape(1, d_hid)
    emb_b2 = emb_b.reshape(1, d_hid)
    b_res1_2 = b_res1.reshape(1, d_mid)
    b_res2_2 = b_res2.reshape(1, d_hid)

    full = lambda shape: pl.BlockSpec(shape, lambda *_: (0,) * len(shape))

    x_p = jnp.pad(x_attr, ((0, pa - n_attr), (0, 0)))
    a_attr = jnp.pad(assign[:n_attr], (0, pa - n_attr)).reshape(pa // B, B, 1)
    out_attr = pl.pallas_call(
        functools.partial(_attr_kernel, n_ops=n_ops),
        grid=(pa // B,),
        in_specs=[
            pl.BlockSpec((B, d_in), lambda i: (i, 0)),
            pl.BlockSpec((1, B, 1), lambda i: (i, 0, 0)),
            full((d_in, d_hid)),
            full((1, d_hid)),
            full((n_ops, d_hid, d_hid)),
            full((n_ops, d_hid)),
            full((d_hid, d_mid)),
            full((1, d_mid)),
            full((d_mid, d_hid)),
            full((1, d_hid)),
        ],
        out_specs=pl.BlockSpec((B, d_hid), lambda i: (i, 0)),
        out_shape=jax.ShapeDtypeStruct((pa, d_hid), jnp.float32),
    )(x_p, a_attr, W_pre, b_pre2, W_ops, b_ops, W_res1, b_res1_2,
      W_res2, b_res2_2)

    a_un = jnp.pad(assign[n_attr:], (0, pu - n_unattr), constant_values=1)
    emb_p = jnp.pad(emb_W, ((0, pu + 8 - n_unattr), (0, 0)))

    mesh = plsc.VectorSubcoreMesh(core_axis_name="c", subcore_axis_name="s")
    s1 = pl.kernel(
        functools.partial(_sc_compact_gather, cap=cap, gtile=GT, sent=sent,
                          ncores=ncores),
        out_type=(
            jax.ShapeDtypeStruct((pu,), jnp.int32),
            jax.ShapeDtypeStruct((nw, 16), jnp.int32),
            jax.ShapeDtypeStruct((pu, d_hid), jnp.float32),
        ),
        mesh=mesh,
        compiler_params=pltpu.CompilerParams(needs_layout_passes=False),
        scratch_types=[
            pltpu.VMEM((cap,), jnp.int32),
            pltpu.VMEM((cap,), jnp.int32),
            pltpu.VMEM((GT,), jnp.int32),
            pltpu.VMEM((16,), jnp.int32),
            pltpu.VMEM((GT, d_hid), jnp.float32),
            pltpu.SemaphoreType.DMA,
        ],
    )
    idx_arr, cnts, gat = s1(a_un, emb_p)

    TB = 256
    cnt_scalar = cnts[:, 0]
    out_c = pl.pallas_call(
        functools.partial(_res_mlp_kernel, cap=cap, tb=TB),
        grid_spec=pltpu.PrefetchScalarGridSpec(
            num_scalar_prefetch=1,
            grid=(nw,),
            in_specs=[
                pl.BlockSpec(memory_space=pl.MemorySpace.ANY),
                full((1, d_hid)),
                full((d_hid, d_mid)),
                full((1, d_mid)),
                full((d_mid, d_hid)),
                full((1, d_hid)),
            ],
            out_specs=pl.BlockSpec(memory_space=pl.MemorySpace.ANY),
            scratch_shapes=[
                pltpu.VMEM((TB, d_hid), jnp.float32),
                pltpu.VMEM((TB, d_hid), jnp.float32),
                pltpu.SemaphoreType.DMA,
                pltpu.SemaphoreType.DMA,
            ],
        ),
        out_shape=jax.ShapeDtypeStruct((pu, d_hid), jnp.float32),
    )(cnt_scalar, gat, emb_b2, W_res1, b_res1_2, W_res2, b_res2_2)

    s3 = pl.kernel(
        functools.partial(_sc_scatter, cap=cap, gtile=GT, ncores=ncores),
        out_type=jax.ShapeDtypeStruct((pb, d_hid), jnp.float32),
        mesh=mesh,
        compiler_params=pltpu.CompilerParams(needs_layout_passes=False),
        scratch_types=[
            pltpu.VMEM((GT,), jnp.int32),
            pltpu.VMEM((16,), jnp.int32),
            pltpu.VMEM((GT, d_hid), jnp.float32),
            pltpu.SemaphoreType.DMA,
        ],
    )
    buf = s3(out_c, idx_arr, cnts)

    bops_p = jnp.pad(b_ops, ((1, 0), (0, 0)))
    dtab = pl.pallas_call(
        _dtable_kernel,
        in_specs=[full((n_ops + 1, d_hid)), full((d_hid, d_mid)),
                  full((1, d_mid)), full((d_mid, d_hid)), full((1, d_hid))],
        out_specs=full((n_ops + 1, d_hid)),
        out_shape=jax.ShapeDtypeStruct((n_ops + 1, d_hid), jnp.float32),
    )(bops_p, W_res1, b_res1_2, W_res2, b_res2_2)

    a_un_b = jnp.pad(assign[n_attr:], (0, pb - n_unattr),
                     constant_values=1).reshape(pb // B, B, 1)
    out_unattr = pl.pallas_call(
        functools.partial(_blend_kernel, n_tab=n_ops + 1),
        grid=(pb // B,),
        in_specs=[
            pl.BlockSpec((B, d_hid), lambda i: (i, 0)),
            pl.BlockSpec((1, B, 1), lambda i: (i, 0, 0)),
            full((n_ops + 1, d_hid)),
        ],
        out_specs=pl.BlockSpec((B, d_hid), lambda i: (i, 0)),
        out_shape=jax.ShapeDtypeStruct((pb, d_hid), jnp.float32),
    )(buf, a_un_b, dtab)

    return jnp.concatenate([out_attr[:n_attr], out_unattr[:n_unattr]], axis=0)

# --- scband reference (transcript-rebuilt; emitter-appended) ---
"""Pipeline reference for scband-fixed-net-10496900072251 (READ-ONLY COPY).

The authoritative reference and input builder live on the scoring server;
editing this copy changes nothing except your own understanding.
"""

import jax, jax.numpy as jnp
import numpy as np

N_TOTAL = 50000   # dl.nodes['total']
N_ATTR = 10000    # nodes of valid_attributed_type (type 0, occupying ids [0, N_ATTR))
D_IN = 512        # in_dims[valid_attributed_type]
D_HID = 256       # args.att_comp_dim
K = 8             # args.cluster_num; cluster 0 uses 'one-hot' op, clusters 1..K-1 use distinct linear ops


def setup_inputs(seed: int = 0) -> dict:
    key = jax.random.key(seed)
    ks = jax.random.split(key, 12)
    x_attr = jax.random.normal(ks[0], (N_ATTR, D_IN), dtype=jnp.float32)
    node_assign = jax.random.randint(ks[1], (N_TOTAL,), 0, K, dtype=jnp.int64 if jax.config.jax_enable_x64 else jnp.int32)
    # preprocess: Linear(D_IN, D_HID)
    W_pre = jax.random.normal(ks[2], (D_IN, D_HID), dtype=jnp.float32) * 0.05
    b_pre = jnp.zeros((D_HID,), dtype=jnp.float32)
    # one-hot embedding for the unattributed node type: Linear(N_TOTAL-N_ATTR, D_HID) applied to sparse identity
    emb_W = jax.random.normal(ks[3], (N_TOTAL - N_ATTR, D_HID), dtype=jnp.float32) * 0.05
    emb_b = jnp.zeros((D_HID,), dtype=jnp.float32)
    # per-cluster (non-shared) op weights for clusters 1..K-1
    W_ops = jax.random.normal(ks[4], (K - 1, D_HID, D_HID), dtype=jnp.float32) * 0.05
    b_ops = jnp.zeros((K - 1, D_HID), dtype=jnp.float32)
    # res_fc: Linear(D_HID, 2*D_HID) -> ELU -> Linear(2*D_HID, D_HID)
    W_res1 = jax.random.normal(ks[5], (D_HID, 2 * D_HID), dtype=jnp.float32) * 0.05
    b_res1 = jnp.zeros((2 * D_HID,), dtype=jnp.float32)
    W_res2 = jax.random.normal(ks[6], (2 * D_HID, D_HID), dtype=jnp.float32) * 0.05
    b_res2 = jnp.zeros((D_HID,), dtype=jnp.float32)
    return {
        'x_attr': x_attr, 'node_assign': node_assign,
        'W_pre': W_pre, 'b_pre': b_pre,
        'emb_W': emb_W, 'emb_b': emb_b,
        'W_ops': W_ops, 'b_ops': b_ops,
        'W_res1': W_res1, 'b_res1': b_res1,
        'W_res2': W_res2, 'b_res2': b_res2,
    }


def reference(x_attr, node_assign, W_pre, b_pre, emb_W, emb_b, W_ops, b_ops, W_res1, b_res1, W_res2, b_res2):
    # preprocess attributed-type raw features and scatter into the full node table
    h_tr = x_attr @ W_pre + b_pre
    h0 = jnp.zeros((N_TOTAL, D_HID), dtype=h_tr.dtype)
    h0 = h0.at[jnp.arange(N_ATTR)].set(h_tr)
    # one-hot op output: zeros for attributed type, identity @ Linear for the other type
    one_hot_h = jnp.concatenate([jnp.zeros((N_ATTR, D_HID), dtype=h_tr.dtype), emb_W + emb_b], axis=0)
    # cluster 0 uses the 'one-hot' op; spmm with diagonal mask == row-select by cluster assignment
    mask0 = (node_assign == 0)[:, None].astype(h0.dtype)
    h_attributed = mask0 * one_hot_h
    # clusters 1..K-1: each has its own op, computed densely over all nodes then masked (faithful to torch.spmm(mask_k, op(g, h0)))
    for k in range(1, K):
        op_out = jax.nn.elu(h0 @ W_ops[k - 1] + b_ops[k - 1])
        mk = (node_assign == k)[:, None].astype(h0.dtype)
        h_attributed = h_attributed + mk * op_out
    # use_skip branch: h = ELU(h + ELU(res_fc(h))); h = h + h0
    res = jax.nn.elu(jax.nn.elu(h_attributed @ W_res1 + b_res1) @ W_res2 + b_res2)
    h_attributed = jax.nn.elu(h_attributed + res)
    h_attributed = h_attributed + h0
    return h_attributed

if __name__ == "__main__":
    import jax
    _d = setup_inputs()
    print(jax.jit(kernel)(*tuple(_d.values())))

</pallas_src>

<mosaic_0001>
#map = affine_map<(d0, d1) -> (0, 0)>
#map1 = affine_map<(d0, d1) -> (0)>
module attributes {stable_mosaic.version = 14 : i64} {
  func.func @_sc_scatter(%arg0: i32, %arg1: i32, %arg2: memref<40960x256xf32, #tpu.memory_space<hbm>>, %arg3: memref<40960xi32, #tpu.memory_space<hbm>>, %arg4: memref<32x16xi32, #tpu.memory_space<hbm>>, %arg5: memref<41472x256xf32, #tpu.memory_space<hbm>>, %arg6: memref<128xi32, #tpu.memory_space<vmem>>, %arg7: memref<16xi32, #tpu.memory_space<vmem>>, %arg8: memref<128x256xf32, #tpu.memory_space<vmem>>, %arg9: memref<!tpu.dma_semaphore, #tpu.memory_space<semaphore_mem>>) attributes {dimension_semantics = [#tpu.dimension_semantics<core_parallel>, #tpu.dimension_semantics<subcore_parallel>], iteration_bounds = array<i64: 2, 16>, scalar_prefetch = 0 : i64, scratch_operands = 4 : i64, tpu.core_type = #tpu.core_type<sc_vector_subcore>, window_params = [{transform_indices = #map}, {transform_indices = #map1}, {transform_indices = #map}, {transform_indices = #map}]} {
    %mul3A = arith.constant 2 : i32
    %mul3A_0 = arith.muli %arg1, %mul3A : i32
    %add3A = arith.addi %mul3A_0, %arg0 : i32
    %mul3A_1 = arith.constant 1280 : i32
    %mul3A_2 = arith.muli %add3A, %mul3A_1 : i32
    "tpu.region"() ({
      %run_scoped3A = tpu.sem_alloc : memref<!tpu.dma_semaphore, #tpu.memory_space<semaphore_mem>>
      %dma_start3A = arith.constant 0 : i32
      %dma_start3A_3 = tpu.memref_slice %arg4[%add3A, %dma_start3A] : memref<32x16xi32, #tpu.memory_space<hbm>> -> memref<1x16xi32, #tpu.memory_space<hbm>>
      %dma_start3A_4 = tpu.memref_squeeze %dma_start3A_3 : memref<1x16xi32, #tpu.memory_space<hbm>> -> memref<16xi32, #tpu.memory_space<hbm>>
      %dma_start3A_5 = arith.constant 0 : i32
      %dma_start3A_6 = tpu.memref_slice %arg4[%add3A, %dma_start3A_5] : memref<32x16xi32, #tpu.memory_space<hbm>> -> memref<1x16xi32, #tpu.memory_space<hbm>>
      %dma_start3A_7 = tpu.memref_squeeze %dma_start3A_6 : memref<1x16xi32, #tpu.memory_space<hbm>> -> memref<16xi32, #tpu.memory_space<hbm>>
      tpu.enqueue_dma source(%dma_start3A_7 : memref<16xi32, #tpu.memory_space<hbm>>) target(%arg7 : memref<16xi32, #tpu.memory_space<vmem>>) target_semaphore(%run_scoped3A : memref<!tpu.dma_semaphore, #tpu.memory_space<semaphore_mem>>)
      %dma_wait3A = arith.constant 0 : i32
      %dma_wait3A_8 = tpu.memref_slice %arg4[%add3A, %dma_wait3A] : memref<32x16xi32, #tpu.memory_space<hbm>> -> memref<1x16xi32, #tpu.memory_space<hbm>>
      %dma_wait3A_9 = tpu.memref_squeeze %dma_wait3A_8 : memref<1x16xi32, #tpu.memory_space<hbm>> -> memref<16xi32, #tpu.memory_space<hbm>>
      %dma_wait3A_10 = arith.constant 0 : i32
      %dma_wait3A_11 = tpu.memref_slice %arg4[%add3A, %dma_wait3A_10] : memref<32x16xi32, #tpu.memory_space<hbm>> -> memref<1x16xi32, #tpu.memory_space<hbm>>
      %dma_wait3A_12 = tpu.memref_squeeze %dma_wait3A_11 : memref<1x16xi32, #tpu.memory_space<hbm>> -> memref<16xi32, #tpu.memory_space<hbm>>
      tpu.wait_dma2 semaphore(%run_scoped3A : memref<!tpu.dma_semaphore, #tpu.memory_space<semaphore_mem>>) src(%dma_wait3A_12 : memref<16xi32, #tpu.memory_space<hbm>>) dst(%arg7 : memref<16xi32, #tpu.memory_space<vmem>>)
      tpu.yield
    }) : () -> ()
    return
  }
}

#map = affine_map<(d0, d1) -> (0)>
#map1 = affine_map<(d0, d1) -> (0, 0)>
module attributes {stable_mosaic.version = 14 : i64} {
  func.func @_sc_compact_gather(%arg0: i32, %arg1: i32, %arg2: memref<40960xi32, #tpu.memory_space<hbm>>, %arg3: memref<40968x256xf32, #tpu.memory_space<hbm>>, %arg4: memref<40960xi32, #tpu.memory_space<hbm>>, %arg5: memref<32x16xi32, #tpu.memory_space<hbm>>, %arg6: memref<40960x256xf32, #tpu.memory_space<hbm>>, %arg7: memref<1280xi32, #tpu.memory_space<vmem>>, %arg8: memref<1280xi32, #tpu.memory_space<vmem>>, %arg9: memref<128xi32, #tpu.memory_space<vmem>>, %arg10: memref<16xi32, #tpu.memory_space<vmem>>, %arg11: memref<128x256xf32, #tpu.memory_space<vmem>>, %arg12: memref<!tpu.dma_semaphore, #tpu.memory_space<semaphore_mem>>) attributes {dimension_semantics = [#tpu.dimension_semantics<core_parallel>, #tpu.dimension_semantics<subcore_parallel>], iteration_bounds = array<i64: 2, 16>, scalar_prefetch = 0 : i64, scratch_operands = 6 : i64, tpu.core_type = #tpu.core_type<sc_vector_subcore>, window_params = [{transform_indices = #map}, {transform_indices = #map1}, {transform_indices = #map}, {transform_indices = #map1}, {transform_indices = #map1}]} {
    %mul3A = arith.constant 2 : i32
    %mul3A_0 = arith.muli %arg1, %mul3A : i32
    %add3A = arith.addi %mul3A_0, %arg0 : i32
    %mul3A_1 = arith.constant 1280 : i32
    %mul3A_2 = arith.muli %add3A, %mul3A_1 : i32
    "tpu.region"() ({
      %run_scoped3A = tpu.sem_alloc : memref<!tpu.dma_semaphore, #tpu.memory_space<semaphore_mem>>
      %dma_start3A = tpu.memref_slice %arg2[%mul3A_2] : memref<40960xi32, #tpu.memory_space<hbm>> -> memref<1280xi32, #tpu.memory_space<hbm>>
      %dma_start3A_16 = tpu.memref_slice %arg2[%mul3A_2] : memref<40960xi32, #tpu.memory_space<hbm>> -> memref<1280xi32, #tpu.memory_space<hbm>>
      tpu.enqueue_dma source(%dma_start3A_16 : memref<1280xi32, #tpu.memory_space<hbm>>) target(%arg7 : memref<1280xi32, #tpu.memory_space<vmem>>) target_semaphore(%run_scoped3A : memref<!tpu.dma_semaphore, #tpu.memory_space<semaphore_mem>>)
      %dma_wait3A = tpu.memref_slice %arg2[%mul3A_2] : memref<40960xi32, #tpu.memory_space<hbm>> -> memref<1280xi32, #tpu.memory_space<hbm>>
      %dma_wait3A_17 = tpu.memref_slice %arg2[%mul3A_2] : memref<40960xi32, #tpu.memory_space<hbm>> -> memref<1280xi32, #tpu.memory_space<hbm>>
      tpu.wait_dma2 semaphore(%run_scoped3A : memref<!tpu.dma_semaphore, #tpu.memory_space<semaphore_mem>>) src(%dma_wait3A_17 : memref<1280xi32, #tpu.memory_space<hbm>>) dst(%arg7 : memref<1280xi32, #tpu.memory_space<vmem>>)
      tpu.yield
    }) : () -> ()
    %broadcast_in_dim3A = arith.constant 40960 : i32
    %broadcast_in_dim3A_3 = vector.broadcast %broadcast_in_dim3A : i32 to vector<16xi32>
    %scan3A = arith.constant 0 : i32
    %scan3A_4 = arith.constant 0 : i32
    %scan3A_5 = arith.constant 80 : i32
    %scan3A_6 = arith.addi %scan3A_4, %scan3A_5 : i32
    %scan3A_7 = arith.constant 1 : i32
    %scan3A_8 = scf.for %scan3A_16 = %scan3A_4 to %scan3A_6 step %scan3A_7 iter_args(%scan3A_17 = %scan3A) -> (i32)  : i32 {
      %mul3A_18 = arith.constant 16 : i32
      %mul3A_19 = arith.muli %scan3A_16, %mul3A_18 : i32
      %swap3A_20 = arith.index_cast %mul3A_19 : i32 to index
      %swap3A_21 = tpu.vector_load %arg8[%swap3A_20] {strides = array<i32>} : memref<1280xi32, #tpu.memory_space<vmem>>, vector<16xi32>,
      tpu.vector_store %arg8[%swap3A_20], %broadcast_in_dim3A_3 {strides = array<i32>} : memref<1280xi32, #tpu.memory_space<vmem>>, vector<16xi32>,
      %scan3A_22 = arith.constant 0 : i32
      scf.yield %scan3A_22 : i32
    }
    %scan3A_9 = arith.constant 80 : i32
    %iota3A = tpu.iota {dimensions = array<i32: 0>} : vector<16xi32>
    %broadcast_in_dim3A_10 = arith.constant 1 : i32
    %broadcast_in_dim3A_11 = vector.broadcast %broadcast_in_dim3A_10 : i32 to vector<16xi32>
    %mul3A_12 = arith.constant 0 : i32
    %mul3A_13 = vector.broadcast %mul3A_12 : i32 to vector<16xi32>
    %mul3A_14 = arith.muli %broadcast_in_dim3A_11, %mul3A_13 : vector<16xi32>
    %swap3A = arith.constant 0 : index
    %swap3A_15 = tpu.vector_load %arg10[%swap3A] {strides = array<i32>} : memref<16xi32, #tpu.memory_space<vmem>>, vector<16xi32>,
    tpu.vector_store %arg10[%swap3A], %mul3A_14 {strides = array<i32>} : memref<16xi32, #tpu.memory_space<vmem>>, vector<16xi32>,
    "tpu.region"() ({
      %run_scoped3A = tpu.sem_alloc : memref<!tpu.dma_semaphore, #tpu.memory_space<semaphore_mem>>
      %dma_start3A = arith.constant 0 : i32
      %dma_start3A_16 = tpu.memref_slice %arg5[%add3A, %dma_start3A] : memref<32x16xi32, #tpu.memory_space<hbm>> -> memref<1x16xi32, #tpu.memory_space<hbm>>
      %dma_start3A_17 = tpu.memref_squeeze %dma_start3A_16 : memref<1x16xi32, #tpu.memory_space<hbm>> -> memref<16xi32, #tpu.memory_space<hbm>>
      %dma_start3A_18 = arith.constant 0 : i32
      %dma_start3A_19 = tpu.memref_slice %arg5[%add3A, %dma_start3A_18] : memref<32x16xi32, #tpu.memory_space<hbm>> -> memref<1x16xi32, #tpu.memory_space<hbm>>
      %dma_start3A_20 = tpu.memref_squeeze %dma_start3A_19 : memref<1x16xi32, #tpu.memory_space<hbm>> -> memref<16xi32, #tpu.memory_space<hbm>>
      tpu.enqueue_dma source(%arg10 : memref<16xi32, #tpu.memory_space<vmem>>) target(%dma_start3A_20 : memref<16xi32, #tpu.memory_space<hbm>>) target_semaphore(%run_scoped3A : memref<!tpu.dma_semaphore, #tpu.memory_space<semaphore_mem>>)
      %dma_wait3A = arith.constant 0 : i32
      %dma_wait3A_21 = tpu.memref_slice %arg5[%add3A, %dma_wait3A] : memref<32x16xi32, #tpu.memory_space<hbm>> -> memref<1x16xi32, #tpu.memory_space<hbm>>
      %dma_wait3A_22 = tpu.memref_squeeze %dma_wait3A_21 : memref<1x16xi32, #tpu.memory_space<hbm>> -> memref<16xi32, #tpu.memory_space<hbm>>
      %dma_wait3A_23 = arith.constant 0 : i32
      %dma_wait3A_24 = tpu.memref_slice %arg5[%add3A, %dma_wait3A_23] : memref<32x16xi32, #tpu.memory_space<hbm>> -> memref<1x16xi32, #tpu.memory_space<hbm>>
      %dma_wait3A_25 = tpu.memref_squeeze %dma_wait3A_24 : memref<1x16xi32, #tpu.memory_space<hbm>> -> memref<16xi32, #tpu.memory_space<hbm>>
      tpu.wait_dma2 semaphore(%run_scoped3A : memref<!tpu.dma_semaphore, #tpu.memory_space<semaphore_mem>>) src(%arg10 : memref<16xi32, #tpu.memory_space<vmem>>) dst(%dma_wait3A_25 : memref<16xi32, #tpu.memory_space<hbm>>)
      tpu.yield
    }) : () -> ()
    "tpu.region"() ({
      %run_scoped3A = tpu.sem_alloc : memref<!tpu.dma_semaphore, #tpu.memory_space<semaphore_mem>>
      %dma_start3A = tpu.memref_slice %arg4[%mul3A_2] : memref<40960xi32, #tpu.memory_space<hbm>> -> memref<1280xi32, #tpu.memory_space<hbm>>
      %dma_start3A_16 = tpu.memref_slice %arg4[%mul3A_2] : memref<40960xi32, #tpu.memory_space<hbm>> -> memref<1280xi32, #tpu.memory_space<hbm>>
      tpu.enqueue_dma source(%arg8 : memref<1280xi32, #tpu.memory_space<vmem>>) target(%dma_start3A_16 : memref<1280xi32, #tpu.memory_space<hbm>>) target_semaphore(%run_scoped3A : memref<!tpu.dma_semaphore, #tpu.memory_space<semaphore_mem>>)
      %dma_wait3A = tpu.memref_slice %arg4[%mul3A_2] : memref<40960xi32, #tpu.memory_space<hbm>> -> memref<1280xi32, #tpu.memory_space<hbm>>
      %dma_wait3A_17 = tpu.memref_slice %arg4[%mul3A_2] : memref<40960xi32, #tpu.memory_space<hbm>> -> memref<1280xi32, #tpu.memory_space<hbm>>
      tpu.wait_dma2 semaphore(%run_scoped3A : memref<!tpu.dma_semaphore, #tpu.memory_space<semaphore_mem>>) src(%arg8 : memref<1280xi32, #tpu.memory_space<vmem>>) dst(%dma_wait3A_17 : memref<1280xi32, #tpu.memory_space<hbm>>)
      tpu.yield
    }) : () -> ()
    return
  }
}

module attributes {stable_mosaic.version = 14 : i64} {
  func.func @_res_mlp_kernel(%arg0: i32, %arg1: memref<32xi32, #tpu.memory_space<smem>>, %arg2: memref<40960x256xf32, #tpu.memory_space<any>>, %arg3: memref<1x256xf32, #tpu.memory_space<vmem>>, %arg4: memref<256x512xf32, #tpu.memory_space<vmem>>, %arg5: memref<1x512xf32, #tpu.memory_space<vmem>>, %arg6: memref<512x256xf32, #tpu.memory_space<vmem>>, %arg7: memref<1x256xf32, #tpu.memory_space<vmem>>, %arg8: memref<40960x256xf32, #tpu.memory_space<any>>, %arg9: memref<256x256xf32, #tpu.memory_space<vmem>>, %arg10: memref<256x256xf32, #tpu.memory_space<vmem>>, %arg11: memref<!tpu.dma_semaphore, #tpu.memory_space<semaphore_mem>>, %arg12: memref<!tpu.dma_semaphore, #tpu.memory_space<semaphore_mem>>) attributes {dimension_semantics = [#tpu.dimension_semantics<arbitrary>], iteration_bounds = array<i64: 32>, scalar_prefetch = 1 : i64, scratch_operands = 4 : i64, tpu.core_type = #tpu.core_type<tc>, window_params = [{}, {pipeline_mode = #tpu.pipeline_mode<synchronous>, transform_indices = @transform_1, window_bounds = array<i64: 1, 256>}, {pipeline_mode = #tpu.pipeline_mode<synchronous>, transform_indices = @transform_2, window_bounds = array<i64: 256, 512>}, {pipeline_mode = #tpu.pipeline_mode<synchronous>, transform_indices = @transform_3, window_bounds = array<i64: 1, 512>}, {pipeline_mode = #tpu.pipeline_mode<synchronous>, transform_indices = @transform_4, window_bounds = array<i64: 512, 256>}, {pipeline_mode = #tpu.pipeline_mode<synchronous>, transform_indices = @transform_5, window_bounds = array<i64: 1, 256>}, {}]} {
    %get3A = arith.index_cast %arg0 : i32 to index
    %get3A_0 = memref.load %arg1[%get3A] : memref<32xi32, #tpu.memory_space<smem>>
    %add3A = arith.constant 256 : i32
    %add3A_1 = arith.addi %get3A_0, %add3A : i32
    %sub3A = arith.constant 1 : i32
    %sub3A_2 = arith.subi %add3A_1, %sub3A : i32
    %jit3A = arith.constant 256 : i32
    %div3A = arith.divsi %sub3A_2, %jit3A : i32
    %sign3A = arith.constant 0 : i32
    %sign3A_3 = arith.cmpi sgt, %sub3A_2, %sign3A : i32
    %sign3A_4 = arith.extui %sign3A_3 : i1 to i32
    %sign3A_5 = arith.constant 0 : i32
    %sign3A_6 = arith.cmpi slt, %sub3A_2, %sign3A_5 : i32
    %sign3A_7 = arith.extui %sign3A_6 : i1 to i32
    %sign3A_8 = arith.subi %sign3A_4, %sign3A_7 : i32
    %sign3A_9 = arith.constant 0 : i32
    %sign3A_10 = arith.cmpi sgt, %jit3A, %sign3A_9 : i32
    %sign3A_11 = arith.extui %sign3A_10 : i1 to i32
    %sign3A_12 = arith.constant 0 : i32
    %sign3A_13 = arith.cmpi slt, %jit3A, %sign3A_12 : i32
    %sign3A_14 = arith.extui %sign3A_13 : i1 to i32
    %sign3A_15 = arith.subi %sign3A_11, %sign3A_14 : i32
    %ne3A = arith.cmpi ne, %sign3A_8, %sign3A_15 : i32
    %rem3A = arith.remsi %sub3A_2, %jit3A : i32
    %ne3A_16 = arith.constant 0 : i32
    %ne3A_17 = arith.cmpi ne, %rem3A, %ne3A_16 : i32
    %and3A = arith.andi %ne3A, %ne3A_17 : i1
    %sub3A_18 = arith.constant 1 : i32
    %sub3A_19 = arith.subi %div3A, %sub3A_18 : i32
    %select_n3A = arith.select %and3A, %sub3A_19, %div3A : i32
    %while3A = arith.constant 0 : i32
    %while3A_20 = arith.constant 0 : i32
    %while3A_21 = arith.subi %select_n3A, %while3A : i32
    %while3A_22 = arith.addi %while3A, %while3A_21 : i32
    %while3A_23 = arith.constant 1 : i32
    %while3A_24 = arith.divsi %while3A_21, %while3A_23 : i32
    %while3A_25 = arith.muli %while3A_24, %while3A_23 : i32
    %while3A_26 = arith.addi %while3A, %while3A_25 : i32
    %while3A_27 = arith.constant 1 : i32
    %while3A_28 = scf.for %while3A_31 = %while3A to %while3A_26 step %while3A_27 iter_args(%while3A_32 = %while3A_20) -> (i32)  : i32 {
      %mul3A = arith.constant 1280 : i32
      %mul3A_33 = arith.muli %arg0, %mul3A : i32
      %mul3A_34 = arith.constant 256 : i32
      %mul3A_35 = arith.muli %while3A_31, %mul3A_34 : i32
      %add3A_36 = arith.addi %mul3A_33, %mul3A_35 : i32
      %dma_start3A = arith.constant 0 : i32
      %dma_start3A_37 = tpu.memref_slice %arg2[%add3A_36, %dma_start3A] : memref<40960x256xf32, #tpu.memory_space<any>> -> memref<256x256xf32, #tpu.memory_space<any>>
      tpu.enqueue_dma source(%dma_start3A_37 : memref<256x256xf32, #tpu.memory_space<any>>) target(%arg9 : memref<256x256xf32, #tpu.memory_space<vmem>>) target_semaphore(%arg11 : memref<!tpu.dma_semaphore, #tpu.memory_space<semaphore_mem>>)
      %dma_wait3A = arith.constant 0 : i32
      %dma_wait3A_38 = tpu.memref_slice %arg2[%add3A_36, %dma_wait3A] : memref<40960x256xf32, #tpu.memory_space<any>> -> memref<256x256xf32, #tpu.memory_space<any>>
      tpu.wait_dma2 semaphore(%arg11 : memref<!tpu.dma_semaphore, #tpu.memory_space<semaphore_mem>>) src(%dma_wait3A_38 : memref<256x256xf32, #tpu.memory_space<any>>) dst(%arg9 : memref<256x256xf32, #tpu.memory_space<vmem>>)
      %get3A_39 = arith.constant 0 : index
      %get3A_40 = arith.constant 0 : index
      %get3A_41 = vector.load %arg9[%get3A_39, %get3A_40] : memref<256x256xf32, #tpu.memory_space<vmem>>, vector<256x256xf32>
      %get3A_42 = arith.constant 0 : index
      %get3A_43 = arith.constant 0 : index
      %get3A_44 = vector.load %arg3[%get3A_42, %get3A_43] : memref<1x256xf32, #tpu.memory_space<vmem>>, vector<1x256xf32>
      %add3A_45 = vector.broadcast %get3A_44 : vector<1x256xf32> to vector<256x256xf32>
      %add3A_46 = arith.addf %get3A_41, %add3A_45 : vector<256x256xf32>
      %get3A_47 = arith.constant 0 : index
      %get3A_48 = arith.constant 0 : index
      %get3A_49 = vector.load %arg4[%get3A_47, %get3A_48] : memref<256x512xf32, #tpu.memory_space<vmem>>, vector<256x512xf32>
      %dot_general3A = arith.constant dense<0.000000e+00> : vector<256x512xf32>
      %dot_general3A_50 = tpu.matmul %add3A_46, %get3A_49, %dot_general3A {dimension_numbers = #tpu.dot_dimension_numbers<[1], [0], [0], [1], [0, 0, 1, 1], [], []>, transpose_lhs_hint = false} : vector<256x256xf32>, vector<256x512xf32>, vector<256x512xf32> -> vector<256x512xf32>
      %get3A_51 = arith.constant 0 : index
      %get3A_52 = arith.constant 0 : index
      %get3A_53 = vector.load %arg5[%get3A_51, %get3A_52] : memref<1x512xf32, #tpu.memory_space<vmem>>, vector<1x512xf32>
      %add3A_54 = vector.broadcast %get3A_53 : vector<1x512xf32> to vector<256x512xf32>
      %add3A_55 = arith.addf %dot_general3A_50, %add3A_54 : vector<256x512xf32>
      %gt3A = arith.constant 0.000000e+00 : f32
      %gt3A_56 = vector.broadcast %gt3A : f32 to vector<256x512xf32>
      %gt3A_57 = arith.cmpf ogt, %add3A_55, %gt3A_56 : vector<256x512xf32>
      %exp3A = math.exp %add3A_55 : vector<256x512xf32>
      %sub3A_58 = arith.constant 1.000000e+00 : f32
      %sub3A_59 = vector.broadcast %sub3A_58 : f32 to vector<256x512xf32>
      %sub3A_60 = arith.subf %exp3A, %sub3A_59 : vector<256x512xf32>
      %select_n3A_61 = arith.select %gt3A_57, %add3A_55, %sub3A_60 : vector<256x512xi1>, vector<256x512xf32>
      %get3A_62 = arith.constant 0 : index
      %get3A_63 = arith.constant 0 : index
      %get3A_64 = vector.load %arg6[%get3A_62, %get3A_63] : memref<512x256xf32, #tpu.memory_space<vmem>>, vector<512x256xf32>
      %dot_general3A_65 = arith.constant dense<0.000000e+00> : vector<256x256xf32>
      %dot_general3A_66 = tpu.matmul %select_n3A_61, %get3A_64, %dot_general3A_65 {dimension_numbers = #tpu.dot_dimension_numbers<[1], [0], [0], [1], [0, 0, 1, 1], [], []>, transpose_lhs_hint = false} : vector<256x512xf32>, vector<512x256xf32>, vector<256x256xf32> -> vector<256x256xf32>
      %get3A_67 = arith.constant 0 : index
      %get3A_68 = arith.constant 0 : index
      %get3A_69 = vector.load %arg7[%get3A_67, %get3A_68] : memref<1x256xf32, #tpu.memory_space<vmem>>, vector<1x256xf32>
      %add3A_70 = vector.broadcast %get3A_69 : vector<1x256xf32> to vector<256x256xf32>
      %add3A_71 = arith.addf %dot_general3A_66, %add3A_70 : vector<256x256xf32>
      %gt3A_72 = arith.constant 0.000000e+00 : f32
      %gt3A_73 = vector.broadcast %gt3A_72 : f32 to vector<256x256xf32>
      %gt3A_74 = arith.cmpf ogt, %add3A_71, %gt3A_73 : vector<256x256xf32>
      %exp3A_75 = math.exp %add3A_71 : vector<256x256xf32>
      %sub3A_76 = arith.constant 1.000000e+00 : f32
      %sub3A_77 = vector.broadcast %sub3A_76 : f32 to vector<256x256xf32>
      %sub3A_78 = arith.subf %exp3A_75, %sub3A_77 : vector<256x256xf32>
      %select_n3A_79 = arith.select %gt3A_74, %add3A_71, %sub3A_78 : vector<256x256xi1>, vector<256x256xf32>
      %add3A_80 = arith.addf %add3A_46, %select_n3A_79 : vector<256x256xf32>
      %gt3A_81 = arith.constant 0.000000e+00 : f32
      %gt3A_82 = vector.broadcast %gt3A_81 : f32 to vector<256x256xf32>
      %gt3A_83 = arith.cmpf ogt, %add3A_80, %gt3A_82 : vector<256x256xf32>
      %exp3A_84 = math.exp %add3A_80 : vector<256x256xf32>
      %sub3A_85 = arith.constant 1.000000e+00 : f32
      %sub3A_86 = vector.broadcast %sub3A_85 : f32 to vector<256x256xf32>
      %sub3A_87 = arith.subf %exp3A_84, %sub3A_86 : vector<256x256xf32>
      %select_n3A_88 = arith.select %gt3A_83, %add3A_80, %sub3A_87 : vector<256x256xi1>, vector<256x256xf32>
      %swap3A = arith.constant 0 : index
      %swap3A_89 = arith.constant 0 : index
      %swap3A_90 = vector.load %arg10[%swap3A, %swap3A_89] : memref<256x256xf32, #tpu.memory_space<vmem>>, vector<256x256xf32>
      tpu.vector_store %arg10[%swap3A, %swap3A_89], %select_n3A_88 {strides = array<i32>} : memref<256x256xf32, #tpu.memory_space<vmem>>, vector<256x256xf32>,
      %dma_start3A_91 = arith.constant 0 : i32
      %dma_start3A_92 = tpu.memref_slice %arg8[%add3A_36, %dma_start3A_91] : memref<40960x256xf32, #tpu.memory_space<any>> -> memref<256x256xf32, #tpu.memory_space<any>>
      tpu.enqueue_dma source(%arg10 : memref<256x256xf32, #tpu.memory_space<vmem>>) target(%dma_start3A_92 : memref<256x256xf32, #tpu.memory_space<any>>) target_semaphore(%arg12 : memref<!tpu.dma_semaphore, #tpu.memory_space<semaphore_mem>>)
      %dma_wait3A_93 = arith.constant 0 : i32
      %dma_wait3A_94 = tpu.memref_slice %arg8[%add3A_36, %dma_wait3A_93] : memref<40960x256xf32, #tpu.memory_space<any>> -> memref<256x256xf32, #tpu.memory_space<any>>
      tpu.wait_dma2 semaphore(%arg12 : memref<!tpu.dma_semaphore, #tpu.memory_space<semaphore_mem>>) src(%arg10 : memref<256x256xf32, #tpu.memory_space<vmem>>) dst(%dma_wait3A_94 : memref<256x256xf32, #tpu.memory_space<any>>)
      %while3A_95 = arith.constant 0 : i32
      scf.yield %while3A_95 : i32
    }
    %while3A_29 = arith.constant 1 : i32
    %while3A_30 = scf.for %while3A_31 = %while3A_26 to %while3A_22 step %while3A_29 iter_args(%while3A_32 = %while3A_28) -> (i32)  : i32 {
      %mul3A = arith.constant 1280 : i32
      %mul3A_33 = arith.muli %arg0, %mul3A : i32
      %mul3A_34 = arith.constant 256 : i32
      %mul3A_35 = arith.muli %while3A_31, %mul3A_34 : i32
      %add3A_36 = arith.addi %mul3A_33, %mul3A_35 : i32
      %dma_start3A = arith.constant 0 : i32
      %dma_start3A_37 = tpu.memref_slice %arg2[%add3A_36, %dma_start3A] : memref<40960x256xf32, #tpu.memory_space<any>> -> memref<256x256xf32, #tpu.memory_space<any>>
      tpu.enqueue_dma source(%dma_start3A_37 : memref<256x256xf32, #tpu.memory_space<any>>) target(%arg9 : memref<256x256xf32, #tpu.memory_space<vmem>>) target_semaphore(%arg11 : memref<!tpu.dma_semaphore, #tpu.memory_space<semaphore_mem>>)
      %dma_wait3A = arith.constant 0 : i32
      %dma_wait3A_38 = tpu.memref_slice %arg2[%add3A_36, %dma_wait3A] : memref<40960x256xf32, #tpu.memory_space<any>> -> memref<256x256xf32, #tpu.memory_space<any>>
      tpu.wait_dma2 semaphore(%arg11 : memref<!tpu.dma_semaphore, #tpu.memory_space<semaphore_mem>>) src(%dma_wait3A_38 : memref<256x256xf32, #tpu.memory_space<any>>) dst(%arg9 : memref<256x256xf32, #tpu.memory_space<vmem>>)
      %get3A_39 = arith.constant 0 : index
      %get3A_40 = arith.constant 0 : index
      %get3A_41 = vector.load %arg9[%get3A_39, %get3A_40] : memref<256x256xf32, #tpu.memory_space<vmem>>, vector<256x256xf32>
      %get3A_42 = arith.constant 0 : index
      %get3A_43 = arith.constant 0 : index
      %get3A_44 = vector.load %arg3[%get3A_42, %get3A_43] : memref<1x256xf32, #tpu.memory_space<vmem>>, vector<1x256xf32>
      %add3A_45 = vector.broadcast %get3A_44 : vector<1x256xf32> to vector<256x256xf32>
      %add3A_46 = arith.addf %get3A_41, %add3A_45 : vector<256x256xf32>
      %get3A_47 = arith.constant 0 : index
      %get3A_48 = arith.constant 0 : index
      %get3A_49 = vector.load %arg4[%get3A_47, %get3A_48] : memref<256x512xf32, #tpu.memory_space<vmem>>, vector<256x512xf32>
      %dot_general3A = arith.constant dense<0.000000e+00> : vector<256x512xf32>
      %dot_general3A_50 = tpu.matmul %add3A_46, %get3A_49, %dot_general3A {dimension_numbers = #tpu.dot_dimension_numbers<[1], [0], [0], [1], [0, 0, 1, 1], [], []>, transpose_lhs_hint = false} : vector<256x256xf32>, vector<256x512xf32>, vector<256x512xf32> -> vector<256x512xf32>
      %get3A_51 = arith.constant 0 : index
      %get3A_52 = arith.constant 0 : index
      %get3A_53 = vector.load %arg5[%get3A_51, %get3A_52] : memref<1x512xf32, #tpu.memory_space<vmem>>, vector<1x512xf32>
      %add3A_54 = vector.broadcast %get3A_53 : vector<1x512xf32> to vector<256x512xf32>
      %add3A_55 = arith.addf %dot_general3A_50, %add3A_54 : vector<256x512xf32>
      %gt3A = arith.constant 0.000000e+00 : f32
      %gt3A_56 = vector.broadcast %gt3A : f32 to vector<256x512xf32>
      %gt3A_57 = arith.cmpf ogt, %add3A_55, %gt3A_56 : vector<256x512xf32>
      %exp3A = math.exp %add3A_55 : vector<256x512xf32>
      %sub3A_58 = arith.constant 1.000000e+00 : f32
      %sub3A_59 = vector.broadcast %sub3A_58 : f32 to vector<256x512xf32>
      %sub3A_60 = arith.subf %exp3A, %sub3A_59 : vector<256x512xf32>
      %select_n3A_61 = arith.select %gt3A_57, %add3A_55, %sub3A_60 : vector<256x512xi1>, vector<256x512xf32>
      %get3A_62 = arith.constant 0 : index
      %get3A_63 = arith.constant 0 : index
      %get3A_64 = vector.load %arg6[%get3A_62, %get3A_63] : memref<512x256xf32, #tpu.memory_space<vmem>>, vector<512x256xf32>
      %dot_general3A_65 = arith.constant dense<0.000000e+00> : vector<256x256xf32>
      %dot_general3A_66 = tpu.matmul %select_n3A_61, %get3A_64, %dot_general3A_65 {dimension_numbers = #tpu.dot_dimension_numbers<[1], [0], [0], [1], [0, 0, 1, 1], [], []>, transpose_lhs_hint = false} : vector<256x512xf32>, vector<512x256xf32>, vector<256x256xf32> -> vector<256x256xf32>
      %get3A_67 = arith.constant 0 : index
      %get3A_68 = arith.constant 0 : index
      %get3A_69 = vector.load %arg7[%get3A_67, %get3A_68] : memref<1x256xf32, #tpu.memory_space<vmem>>, vector<1x256xf32>
      %add3A_70 = vector.broadcast %get3A_69 : vector<1x256xf32> to vector<256x256xf32>
      %add3A_71 = arith.addf %dot_general3A_66, %add3A_70 : vector<256x256xf32>
      %gt3A_72 = arith.constant 0.000000e+00 : f32
      %gt3A_73 = vector.broadcast %gt3A_72 : f32 to vector<256x256xf32>
      %gt3A_74 = arith.cmpf ogt, %add3A_71, %gt3A_73 : vector<256x256xf32>
      %exp3A_75 = math.exp %add3A_71 : vector<256x256xf32>
      %sub3A_76 = arith.constant 1.000000e+00 : f32
      %sub3A_77 = vector.broadcast %sub3A_76 : f32 to vector<256x256xf32>
      %sub3A_78 = arith.subf %exp3A_75, %sub3A_77 : vector<256x256xf32>
      %select_n3A_79 = arith.select %gt3A_74, %add3A_71, %sub3A_78 : vector<256x256xi1>, vector<256x256xf32>
      %add3A_80 = arith.addf %add3A_46, %select_n3A_79 : vector<256x256xf32>
      %gt3A_81 = arith.constant 0.000000e+00 : f32
      %gt3A_82 = vector.broadcast %gt3A_81 : f32 to vector<256x256xf32>
      %gt3A_83 = arith.cmpf ogt, %add3A_80, %gt3A_82 : vector<256x256xf32>
      %exp3A_84 = math.exp %add3A_80 : vector<256x256xf32>
      %sub3A_85 = arith.constant 1.000000e+00 : f32
      %sub3A_86 = vector.broadcast %sub3A_85 : f32 to vector<256x256xf32>
      %sub3A_87 = arith.subf %exp3A_84, %sub3A_86 : vector<256x256xf32>
      %select_n3A_88 = arith.select %gt3A_83, %add3A_80, %sub3A_87 : vector<256x256xi1>, vector<256x256xf32>
      %swap3A = arith.constant 0 : index
      %swap3A_89 = arith.constant 0 : index
      %swap3A_90 = vector.load %arg10[%swap3A, %swap3A_89] : memref<256x256xf32, #tpu.memory_space<vmem>>, vector<256x256xf32>
      tpu.vector_store %arg10[%swap3A, %swap3A_89], %select_n3A_88 {strides = array<i32>} : memref<256x256xf32, #tpu.memory_space<vmem>>, vector<256x256xf32>,
      %dma_start3A_91 = arith.constant 0 : i32
      %dma_start3A_92 = tpu.memref_slice %arg8[%add3A_36, %dma_start3A_91] : memref<40960x256xf32, #tpu.memory_space<any>> -> memref<256x256xf32, #tpu.memory_space<any>>
      tpu.enqueue_dma source(%arg10 : memref<256x256xf32, #tpu.memory_space<vmem>>) target(%dma_start3A_92 : memref<256x256xf32, #tpu.memory_space<any>>) target_semaphore(%arg12 : memref<!tpu.dma_semaphore, #tpu.memory_space<semaphore_mem>>)
      %dma_wait3A_93 = arith.constant 0 : i32
      %dma_wait3A_94 = tpu.memref_slice %arg8[%add3A_36, %dma_wait3A_93] : memref<40960x256xf32, #tpu.memory_space<any>> -> memref<256x256xf32, #tpu.memory_space<any>>
      tpu.wait_dma2 semaphore(%arg12 : memref<!tpu.dma_semaphore, #tpu.memory_space<semaphore_mem>>) src(%arg10 : memref<256x256xf32, #tpu.memory_space<vmem>>) dst(%dma_wait3A_94 : memref<256x256xf32, #tpu.memory_space<any>>)
      %while3A_95 = arith.constant 0 : i32
      scf.yield %while3A_95 : i32
    }
    return
  }
  func.func @transform_1(%arg0: i32, %arg1: memref<32xi32, #tpu.memory_space<smem>>) -> (i32, i32) {
    %c0_i32 = arith.constant 0 : i32
    %c0_i32_0 = arith.constant 0 : i32
    %c0_i32_1 = arith.constant 0 : i32
    return %c0_i32, %c0_i32_0 : i32, i32
  }
  func.func @transform_2(%arg0: i32, %arg1: memref<32xi32, #tpu.memory_space<smem>>) -> (i32, i32) {
    %c0_i32 = arith.constant 0 : i32
    %c0_i32_0 = arith.constant 0 : i32
    %c0_i32_1 = arith.constant 0 : i32
    return %c0_i32, %c0_i32_0 : i32, i32
  }
  func.func @transform_3(%arg0: i32, %arg1: memref<32xi32, #tpu.memory_space<smem>>) -> (i32, i32) {
    %c0_i32 = arith.constant 0 : i32
    %c0_i32_0 = arith.constant 0 : i32
    %c0_i32_1 = arith.constant 0 : i32
    return %c0_i32, %c0_i32_0 : i32, i32
  }
  func.func @transform_4(%arg0: i32, %arg1: memref<32xi32, #tpu.memory_space<smem>>) -> (i32, i32) {
    %c0_i32 = arith.constant 0 : i32
    %c0_i32_0 = arith.constant 0 : i32
    %c0_i32_1 = arith.constant 0 : i32
    return %c0_i32, %c0_i32_0 : i32, i32
  }
  func.func @transform_5(%arg0: i32, %arg1: memref<32xi32, #tpu.memory_space<smem>>) -> (i32, i32) {
    %c0_i32 = arith.constant 0 : i32
    %c0_i32_0 = arith.constant 0 : i32
    %c0_i32_1 = arith.constant 0 : i32
    return %c0_i32, %c0_i32_0 : i32, i32
  }
}

module attributes {stable_mosaic.version = 14 : i64} {
  func.func @_dtable_kernel(%arg0: memref<8x256xf32, #tpu.memory_space<vmem>>, %arg1: memref<256x512xf32, #tpu.memory_space<vmem>>, %arg2: memref<1x512xf32, #tpu.memory_space<vmem>>, %arg3: memref<512x256xf32, #tpu.memory_space<vmem>>, %arg4: memref<1x256xf32, #tpu.memory_space<vmem>>, %arg5: memref<8x256xf32, #tpu.memory_space<vmem>>) attributes {dimension_semantics = [], scalar_prefetch = 0 : i64, scratch_operands = 0 : i64, tpu.core_type = #tpu.core_type<tc>} {
    %get3A = arith.constant 0 : index
    %get3A_0 = arith.constant 0 : index
    %get3A_1 = vector.load %arg0[%get3A, %get3A_0] : memref<8x256xf32, #tpu.memory_space<vmem>>, vector<8x256xf32>
    %gt3A = arith.constant 0.000000e+00 : f32
    %gt3A_2 = vector.broadcast %gt3A : f32 to vector<8x256xf32>
    %gt3A_3 = arith.cmpf ogt, %get3A_1, %gt3A_2 : vector<8x256xf32>
    %exp3A = math.exp %get3A_1 : vector<8x256xf32>
    %sub3A = arith.constant 1.000000e+00 : f32
    %sub3A_4 = vector.broadcast %sub3A : f32 to vector<8x256xf32>
    %sub3A_5 = arith.subf %exp3A, %sub3A_4 : vector<8x256xf32>
    %select_n3A = arith.select %gt3A_3, %get3A_1, %sub3A_5 : vector<8x256xi1>, vector<8x256xf32>
    %get3A_6 = arith.constant 0 : index
    %get3A_7 = arith.constant 0 : index
    %get3A_8 = vector.load %arg1[%get3A_6, %get3A_7] : memref<256x512xf32, #tpu.memory_space<vmem>>, vector<256x512xf32>
    %dot_general3A = arith.constant dense<0.000000e+00> : vector<8x512xf32>
    %dot_general3A_9 = tpu.matmul %select_n3A, %get3A_8, %dot_general3A {dimension_numbers = #tpu.dot_dimension_numbers<[1], [0], [0], [1], [0, 0, 1, 1], [], []>, transpose_lhs_hint = false} : vector<8x256xf32>, vector<256x512xf32>, vector<8x512xf32> -> vector<8x512xf32>
    %get3A_10 = arith.constant 0 : index
    %get3A_11 = arith.constant 0 : index
    %get3A_12 = vector.load %arg2[%get3A_10, %get3A_11] : memref<1x512xf32, #tpu.memory_space<vmem>>, vector<1x512xf32>
    %add3A = vector.broadcast %get3A_12 : vector<1x512xf32> to vector<8x512xf32>
    %add3A_13 = arith.addf %dot_general3A_9, %add3A : vector<8x512xf32>
    %gt3A_14 = arith.constant 0.000000e+00 : f32
    %gt3A_15 = vector.broadcast %gt3A_14 : f32 to vector<8x512xf32>
    %gt3A_16 = arith.cmpf ogt, %add3A_13, %gt3A_15 : vector<8x512xf32>
    %exp3A_17 = math.exp %add3A_13 : vector<8x512xf32>
    %sub3A_18 = arith.constant 1.000000e+00 : f32
    %sub3A_19 = vector.broadcast %sub3A_18 : f32 to vector<8x512xf32>
    %sub3A_20 = arith.subf %exp3A_17, %sub3A_19 : vector<8x512xf32>
    %select_n3A_21 = arith.select %gt3A_16, %add3A_13, %sub3A_20 : vector<8x512xi1>, vector<8x512xf32>
    %get3A_22 = arith.constant 0 : index
    %get3A_23 = arith.constant 0 : index
    %get3A_24 = vector.load %arg3[%get3A_22, %get3A_23] : memref<512x256xf32, #tpu.memory_space<vmem>>, vector<512x256xf32>
    %dot_general3A_25 = arith.constant dense<0.000000e+00> : vector<8x256xf32>
    %dot_general3A_26 = tpu.matmul %select_n3A_21, %get3A_24, %dot_general3A_25 {dimension_numbers = #tpu.dot_dimension_numbers<[1], [0], [0], [1], [0, 0, 1, 1], [], []>, transpose_lhs_hint = false} : vector<8x512xf32>, vector<512x256xf32>, vector<8x256xf32> -> vector<8x256xf32>
    %get3A_27 = arith.constant 0 : index
    %get3A_28 = arith.constant 0 : index
    %get3A_29 = vector.load %arg4[%get3A_27, %get3A_28] : memref<1x256xf32, #tpu.memory_space<vmem>>, vector<1x256xf32>
    %add3A_30 = vector.broadcast %get3A_29 : vector<1x256xf32> to vector<8x256xf32>
    %add3A_31 = arith.addf %dot_general3A_26, %add3A_30 : vector<8x256xf32>
    %gt3A_32 = arith.constant 0.000000e+00 : f32
    %gt3A_33 = vector.broadcast %gt3A_32 : f32 to vector<8x256xf32>
    %gt3A_34 = arith.cmpf ogt, %add3A_31, %gt3A_33 : vector<8x256xf32>
    %exp3A_35 = math.exp %add3A_31 : vector<8x256xf32>
    %sub3A_36 = arith.constant 1.000000e+00 : f32
    %sub3A_37 = vector.broadcast %sub3A_36 : f32 to vector<8x256xf32>
    %sub3A_38 = arith.subf %exp3A_35, %sub3A_37 : vector<8x256xf32>
    %select_n3A_39 = arith.select %gt3A_34, %add3A_31, %sub3A_38 : vector<8x256xi1>, vector<8x256xf32>
    %add3A_40 = arith.addf %select_n3A, %select_n3A_39 : vector<8x256xf32>
    %gt3A_41 = arith.constant 0.000000e+00 : f32
    %gt3A_42 = vector.broadcast %gt3A_41 : f32 to vector<8x256xf32>
    %gt3A_43 = arith.cmpf ogt, %add3A_40, %gt3A_42 : vector<8x256xf32>
    %exp3A_44 = math.exp %add3A_40 : vector<8x256xf32>
    %sub3A_45 = arith.constant 1.000000e+00 : f32
    %sub3A_46 = vector.broadcast %sub3A_45 : f32 to vector<8x256xf32>
    %sub3A_47 = arith.subf %exp3A_44, %sub3A_46 : vector<8x256xf32>
    %select_n3A_48 = arith.select %gt3A_43, %add3A_40, %sub3A_47 : vector<8x256xi1>, vector<8x256xf32>
    %swap3A = arith.constant 0 : index
    %swap3A_49 = arith.constant 0 : index
    %swap3A_50 = vector.load %arg5[%swap3A, %swap3A_49] : memref<8x256xf32, #tpu.memory_space<vmem>>, vector<8x256xf32>
    tpu.vector_store %arg5[%swap3A, %swap3A_49], %select_n3A_48 {strides = array<i32>} : memref<8x256xf32, #tpu.memory_space<vmem>>, vector<8x256xf32>,
    return
  }
}

module attributes {stable_mosaic.version = 14 : i64} {
  func.func @_attr_kernel(%arg0: i32, %arg1: memref<512x512xf32, #tpu.memory_space<vmem>>, %arg2: memref<1x512x1xi32, #tpu.memory_space<vmem>>, %arg3: memref<512x256xf32, #tpu.memory_space<vmem>>, %arg4: memref<1x256xf32, #tpu.memory_space<vmem>>, %arg5: memref<7x256x256xf32, #tpu.memory_space<vmem>>, %arg6: memref<7x256xf32, #tpu.memory_space<vmem>>, %arg7: memref<256x512xf32, #tpu.memory_space<vmem>>, %arg8: memref<1x512xf32, #tpu.memory_space<vmem>>, %arg9: memref<512x256xf32, #tpu.memory_space<vmem>>, %arg10: memref<1x256xf32, #tpu.memory_space<vmem>>, %arg11: memref<512x256xf32, #tpu.memory_space<vmem>>) attributes {dimension_semantics = [#tpu.dimension_semantics<arbitrary>], iteration_bounds = array<i64: 20>, scalar_prefetch = 0 : i64, scratch_operands = 0 : i64, tpu.core_type = #tpu.core_type<tc>, window_params = [{transform_indices = @transform_0, window_bounds = array<i64: 512, 512>}, {transform_indices = @transform_1, window_bounds = array<i64: 1, 512, 1>}, {pipeline_mode = #tpu.pipeline_mode<synchronous>, transform_indices = @transform_2, window_bounds = array<i64: 512, 256>}, {pipeline_mode = #tpu.pipeline_mode<synchronous>, transform_indices = @transform_3, window_bounds = array<i64: 1, 256>}, {pipeline_mode = #tpu.pipeline_mode<synchronous>, transform_indices = @transform_4, window_bounds = array<i64: 7, 256, 256>}, {pipeline_mode = #tpu.pipeline_mode<synchronous>, transform_indices = @transform_5, window_bounds = array<i64: 7, 256>}, {pipeline_mode = #tpu.pipeline_mode<synchronous>, transform_indices = @transform_6, window_bounds = array<i64: 256, 512>}, {pipeline_mode = #tpu.pipeline_mode<synchronous>, transform_indices = @transform_7, window_bounds = array<i64: 1, 512>}, {pipeline_mode = #tpu.pipeline_mode<synchronous>, transform_indices = @transform_8, window_bounds = array<i64: 512, 256>}, {pipeline_mode = #tpu.pipeline_mode<synchronous>, transform_indices = @transform_9, window_bounds = array<i64: 1, 256>}, {transform_indices = @transform_10, window_bounds = array<i64: 512, 256>}]} {
    %get3A = arith.constant 0 : index
    %get3A_0 = arith.constant 0 : index
    %get3A_1 = vector.load %arg1[%get3A, %get3A_0] : memref<512x512xf32, #tpu.memory_space<vmem>>, vector<512x512xf32>
    %get3A_2 = arith.constant 0 : index
    %get3A_3 = arith.constant 0 : index
    %get3A_4 = vector.load %arg3[%get3A_2, %get3A_3] : memref<512x256xf32, #tpu.memory_space<vmem>>, vector<512x256xf32>
    %dot_general3A = arith.constant dense<0.000000e+00> : vector<512x256xf32>
    %dot_general3A_5 = tpu.matmul %get3A_1, %get3A_4, %dot_general3A {dimension_numbers = #tpu.dot_dimension_numbers<[1], [0], [0], [1], [0, 0, 1, 1], [], []>, transpose_lhs_hint = false} : vector<512x512xf32>, vector<512x256xf32>, vector<512x256xf32> -> vector<512x256xf32>
    %get3A_6 = arith.constant 0 : index
    %get3A_7 = arith.constant 0 : index
    %get3A_8 = vector.load %arg4[%get3A_6, %get3A_7] : memref<1x256xf32, #tpu.memory_space<vmem>>, vector<1x256xf32>
    %add3A = vector.broadcast %get3A_8 : vector<1x256xf32> to vector<512x256xf32>
    %add3A_9 = arith.addf %dot_general3A_5, %add3A : vector<512x256xf32>
    %get3A_10 = arith.constant 0 : index
    %get3A_11 = arith.constant 0 : index
    %get3A_12 = arith.constant 0 : index
    %get3A_13 = vector.load %arg2[%get3A_10, %get3A_11, %get3A_12] : memref<1x512x1xi32, #tpu.memory_space<vmem>>, vector<1x512x1xi32>
    %get3A_14 = vector.shape_cast %get3A_13 : vector<1x512x1xi32> to vector<512x1xi32>
    %broadcast_in_dim3A = arith.constant 0.000000e+00 : f32
    %broadcast_in_dim3A_15 = vector.broadcast %broadcast_in_dim3A : f32 to vector<512x256xf32>
    %get3A_16 = arith.constant 0 : index
    %get3A_17 = arith.constant 0 : index
    %get3A_18 = arith.constant 0 : index
    %get3A_19 = vector.load %arg5[%get3A_16, %get3A_17, %get3A_18] : memref<7x256x256xf32, #tpu.memory_space<vmem>>, vector<1x256x256xf32>
    %get3A_20 = vector.shape_cast %get3A_19 : vector<1x256x256xf32> to vector<256x256xf32>
    %dot_general3A_21 = arith.constant dense<0.000000e+00> : vector<512x256xf32>
    %dot_general3A_22 = tpu.matmul %add3A_9, %get3A_20, %dot_general3A_21 {dimension_numbers = #tpu.dot_dimension_numbers<[1], [0], [0], [1], [0, 0, 1, 1], [], []>, transpose_lhs_hint = false} : vector<512x256xf32>, vector<256x256xf32>, vector<512x256xf32> -> vector<512x256xf32>
    %get3A_23 = arith.constant 0 : index
    %get3A_24 = arith.constant 0 : index
    %get3A_25 = vector.load %arg6[%get3A_23, %get3A_24] : memref<7x256xf32, #tpu.memory_space<vmem>>, vector<1x256xf32>
    %get3A_26 = vector.shape_cast %get3A_25 : vector<1x256xf32> to vector<256xf32>
    %broadcast_in_dim3A_27 = vector.shape_cast %get3A_26 : vector<256xf32> to vector<1x256xf32>
    %add3A_28 = vector.broadcast %broadcast_in_dim3A_27 : vector<1x256xf32> to vector<512x256xf32>
    %add3A_29 = arith.addf %dot_general3A_22, %add3A_28 : vector<512x256xf32>
    %eq3A = arith.constant 1 : i32
    %eq3A_30 = vector.broadcast %eq3A : i32 to vector<512x1xi32>
    %eq3A_31 = arith.cmpi eq, %get3A_14, %eq3A_30 : vector<512x1xi32>
    %gt3A = arith.constant 0.000000e+00 : f32
    %gt3A_32 = vector.broadcast %gt3A : f32 to vector<512x256xf32>
    %gt3A_33 = arith.cmpf ogt, %add3A_29, %gt3A_32 : vector<512x256xf32>
    %exp3A = math.exp %add3A_29 : vector<512x256xf32>
    %sub3A = arith.constant 1.000000e+00 : f32
    %sub3A_34 = vector.broadcast %sub3A : f32 to vector<512x256xf32>
    %sub3A_35 = arith.subf %exp3A, %sub3A_34 : vector<512x256xf32>
    %select_n3A = arith.select %gt3A_33, %add3A_29, %sub3A_35 : vector<512x256xi1>, vector<512x256xf32>
    %jit3A = arith.constant 0.000000e+00 : f32
    %broadcast_in_dim3A_36 = vector.shape_cast %eq3A_31 : vector<512x1xi1> to vector<512x1xi1>
    %broadcast_in_dim3A_37 = vector.broadcast %broadcast_in_dim3A_36 : vector<512x1xi1> to vector<512x256xi1>
    %broadcast_in_dim3A_38 = vector.broadcast %jit3A : f32 to vector<512x256xf32>
    %select_n3A_39 = arith.select %broadcast_in_dim3A_37, %select_n3A, %broadcast_in_dim3A_38 : vector<512x256xi1>, vector<512x256xf32>
    %add3A_40 = arith.addf %broadcast_in_dim3A_15, %select_n3A_39 : vector<512x256xf32>
    %get3A_41 = arith.constant 1 : index
    %get3A_42 = arith.constant 0 : index
    %get3A_43 = arith.constant 0 : index
    %get3A_44 = vector.load %arg5[%get3A_41, %get3A_42, %get3A_43] : memref<7x256x256xf32, #tpu.memory_space<vmem>>, vector<1x256x256xf32>
    %get3A_45 = vector.shape_cast %get3A_44 : vector<1x256x256xf32> to vector<256x256xf32>
    %dot_general3A_46 = arith.constant dense<0.000000e+00> : vector<512x256xf32>
    %dot_general3A_47 = tpu.matmul %add3A_9, %get3A_45, %dot_general3A_46 {dimension_numbers = #tpu.dot_dimension_numbers<[1], [0], [0], [1], [0, 0, 1, 1], [], []>, transpose_lhs_hint = false} : vector<512x256xf32>, vector<256x256xf32>, vector<512x256xf32> -> vector<512x256xf32>
    %get3A_48 = arith.constant 1 : index
    %get3A_49 = arith.constant 0 : index
    %get3A_50 = vector.load %arg6[%get3A_48, %get3A_49] : memref<7x256xf32, #tpu.memory_space<vmem>>, vector<1x256xf32>
    %get3A_51 = vector.shape_cast %get3A_50 : vector<1x256xf32> to vector<256xf32>
    %broadcast_in_dim3A_52 = vector.shape_cast %get3A_51 : vector<256xf32> to vector<1x256xf32>
    %add3A_53 = vector.broadcast %broadcast_in_dim3A_52 : vector<1x256xf32> to vector<512x256xf32>
    %add3A_54 = arith.addf %dot_general3A_47, %add3A_53 : vector<512x256xf32>
    %eq3A_55 = arith.constant 2 : i32
    %eq3A_56 = vector.broadcast %eq3A_55 : i32 to vector<512x1xi32>
    %eq3A_57 = arith.cmpi eq, %get3A_14, %eq3A_56 : vector<512x1xi32>
    %gt3A_58 = arith.constant 0.000000e+00 : f32
    %gt3A_59 = vector.broadcast %gt3A_58 : f32 to vector<512x256xf32>
    %gt3A_60 = arith.cmpf ogt, %add3A_54, %gt3A_59 : vector<512x256xf32>
    %exp3A_61 = math.exp %add3A_54 : vector<512x256xf32>
    %sub3A_62 = arith.constant 1.000000e+00 : f32
    %sub3A_63 = vector.broadcast %sub3A_62 : f32 to vector<512x256xf32>
    %sub3A_64 = arith.subf %exp3A_61, %sub3A_63 : vector<512x256xf32>
    %select_n3A_65 = arith.select %gt3A_60, %add3A_54, %sub3A_64 : vector<512x256xi1>, vector<512x256xf32>
    %jit3A_66 = arith.constant 0.000000e+00 : f32
    %broadcast_in_dim3A_67 = vector.shape_cast %eq3A_57 : vector<512x1xi1> to vector<512x1xi1>
    %broadcast_in_dim3A_68 = vector.broadcast %broadcast_in_dim3A_67 : vector<512x1xi1> to vector<512x256xi1>
    %broadcast_in_dim3A_69 = vector.broadcast %jit3A_66 : f32 to vector<512x256xf32>
    %select_n3A_70 = arith.select %broadcast_in_dim3A_68, %select_n3A_65, %broadcast_in_dim3A_69 : vector<512x256xi1>, vector<512x256xf32>
    %add3A_71 = arith.addf %add3A_40, %select_n3A_70 : vector<512x256xf32>
    %get3A_72 = arith.constant 2 : index
    %get3A_73 = arith.constant 0 : index
    %get3A_74 = arith.constant 0 : index
    %get3A_75 = vector.load %arg5[%get3A_72, %get3A_73, %get3A_74] : memref<7x256x256xf32, #tpu.memory_space<vmem>>, vector<1x256x256xf32>
    %get3A_76 = vector.shape_cast %get3A_75 : vector<1x256x256xf32> to vector<256x256xf32>
    %dot_general3A_77 = arith.constant dense<0.000000e+00> : vector<512x256xf32>
    %dot_general3A_78 = tpu.matmul %add3A_9, %get3A_76, %dot_general3A_77 {dimension_numbers = #tpu.dot_dimension_numbers<[1], [0], [0], [1], [0, 0, 1, 1], [], []>, transpose_lhs_hint = false} : vector<512x256xf32>, vector<256x256xf32>, vector<512x256xf32> -> vector<512x256xf32>
    %get3A_79 = arith.constant 2 : index
    %get3A_80 = arith.constant 0 : index
    %get3A_81 = vector.load %arg6[%get3A_79, %get3A_80] : memref<7x256xf32, #tpu.memory_space<vmem>>, vector<1x256xf32>
    %get3A_82 = vector.shape_cast %get3A_81 : vector<1x256xf32> to vector<256xf32>
    %broadcast_in_dim3A_83 = vector.shape_cast %get3A_82 : vector<256xf32> to vector<1x256xf32>
    %add3A_84 = vector.broadcast %broadcast_in_dim3A_83 : vector<1x256xf32> to vector<512x256xf32>
    %add3A_85 = arith.addf %dot_general3A_78, %add3A_84 : vector<512x256xf32>
    %eq3A_86 = arith.constant 3 : i32
    %eq3A_87 = vector.broadcast %eq3A_86 : i32 to vector<512x1xi32>
    %eq3A_88 = arith.cmpi eq, %get3A_14, %eq3A_87 : vector<512x1xi32>
    %gt3A_89 = arith.constant 0.000000e+00 : f32
    %gt3A_90 = vector.broadcast %gt3A_89 : f32 to vector<512x256xf32>
    %gt3A_91 = arith.cmpf ogt, %add3A_85, %gt3A_90 : vector<512x256xf32>
    %exp3A_92 = math.exp %add3A_85 : vector<512x256xf32>
    %sub3A_93 = arith.constant 1.000000e+00 : f32
    %sub3A_94 = vector.broadcast %sub3A_93 : f32 to vector<512x256xf32>
    %sub3A_95 = arith.subf %exp3A_92, %sub3A_94 : vector<512x256xf32>
    %select_n3A_96 = arith.select %gt3A_91, %add3A_85, %sub3A_95 : vector<512x256xi1>, vector<512x256xf32>
    %jit3A_97 = arith.constant 0.000000e+00 : f32
    %broadcast_in_dim3A_98 = vector.shape_cast %eq3A_88 : vector<512x1xi1> to vector<512x1xi1>
    %broadcast_in_dim3A_99 = vector.broadcast %broadcast_in_dim3A_98 : vector<512x1xi1> to vector<512x256xi1>
    %broadcast_in_dim3A_100 = vector.broadcast %jit3A_97 : f32 to vector<512x256xf32>
    %select_n3A_101 = arith.select %broadcast_in_dim3A_99, %select_n3A_96, %broadcast_in_dim3A_100 : vector<512x256xi1>, vector<512x256xf32>
    %add3A_102 = arith.addf %add3A_71, %select_n3A_101 : vector<512x256xf32>
    %get3A_103 = arith.constant 3 : index
    %get3A_104 = arith.constant 0 : index
    %get3A_105 = arith.constant 0 : index
    %get3A_106 = vector.load %arg5[%get3A_103, %get3A_104, %get3A_105] : memref<7x256x256xf32, #tpu.memory_space<vmem>>, vector<1x256x256xf32>
    %get3A_107 = vector.shape_cast %get3A_106 : vector<1x256x256xf32> to vector<256x256xf32>
    %dot_general3A_108 = arith.constant dense<0.000000e+00> : vector<512x256xf32>
    %dot_general3A_109 = tpu.matmul %add3A_9, %get3A_107, %dot_general3A_108 {dimension_numbers = #tpu.dot_dimension_numbers<[1], [0], [0], [1], [0, 0, 1, 1], [], []>, transpose_lhs_hint = false} : vector<512x256xf32>, vector<256x256xf32>, vector<512x256xf32> -> vector<512x256xf32>
    %get3A_110 = arith.constant 3 : index
    %get3A_111 = arith.constant 0 : index
    %get3A_112 = vector.load %arg6[%get3A_110, %get3A_111] : memref<7x256xf32, #tpu.memory_space<vmem>>, vector<1x256xf32>
    %get3A_113 = vector.shape_cast %get3A_112 : vector<1x256xf32> to vector<256xf32>
    %broadcast_in_dim3A_114 = vector.shape_cast %get3A_113 : vector<256xf32> to vector<1x256xf32>
    %add3A_115 = vector.broadcast %broadcast_in_dim3A_114 : vector<1x256xf32> to vector<512x256xf32>
    %add3A_116 = arith.addf %dot_general3A_109, %add3A_115 : vector<512x256xf32>
    %eq3A_117 = arith.constant 4 : i32
    %eq3A_118 = vector.broadcast %eq3A_117 : i32 to vector<512x1xi32>
    %eq3A_119 = arith.cmpi eq, %get3A_14, %eq3A_118 : vector<512x1xi32>
    %gt3A_120 = arith.constant 0.000000e+00 : f32
    %gt3A_121 = vector.broadcast %gt3A_120 : f32 to vector<512x256xf32>
    %gt3A_122 = arith.cmpf ogt, %add3A_116, %gt3A_121 : vector<512x256xf32>
    %exp3A_123 = math.exp %add3A_116 : vector<512x256xf32>
    %sub3A_124 = arith.constant 1.000000e+00 : f32
    %sub3A_125 = vector.broadcast %sub3A_124 : f32 to vector<512x256xf32>
    %sub3A_126 = arith.subf %exp3A_123, %sub3A_125 : vector<512x256xf32>
    %select_n3A_127 = arith.select %gt3A_122, %add3A_116, %sub3A_126 : vector<512x256xi1>, vector<512x256xf32>
    %jit3A_128 = arith.constant 0.000000e+00 : f32
    %broadcast_in_dim3A_129 = vector.shape_cast %eq3A_119 : vector<512x1xi1> to vector<512x1xi1>
    %broadcast_in_dim3A_130 = vector.broadcast %broadcast_in_dim3A_129 : vector<512x1xi1> to vector<512x256xi1>
    %broadcast_in_dim3A_131 = vector.broadcast %jit3A_128 : f32 to vector<512x256xf32>
    %select_n3A_132 = arith.select %broadcast_in_dim3A_130, %select_n3A_127, %broadcast_in_dim3A_131 : vector<512x256xi1>, vector<512x256xf32>
    %add3A_133 = arith.addf %add3A_102, %select_n3A_132 : vector<512x256xf32>
    %get3A_134 = arith.constant 4 : index
    %get3A_135 = arith.constant 0 : index
    %get3A_136 = arith.constant 0 : index
    %get3A_137 = vector.load %arg5[%get3A_134, %get3A_135, %get3A_136] : memref<7x256x256xf32, #tpu.memory_space<vmem>>, vector<1x256x256xf32>
    %get3A_138 = vector.shape_cast %get3A_137 : vector<1x256x256xf32> to vector<256x256xf32>
    %dot_general3A_139 = arith.constant dense<0.000000e+00> : vector<512x256xf32>
    %dot_general3A_140 = tpu.matmul %add3A_9, %get3A_138, %dot_general3A_139 {dimension_numbers = #tpu.dot_dimension_numbers<[1], [0], [0], [1], [0, 0, 1, 1], [], []>, transpose_lhs_hint = false} : vector<512x256xf32>, vector<256x256xf32>, vector<512x256xf32> -> vector<512x256xf32>
    %get3A_141 = arith.constant 4 : index
    %get3A_142 = arith.constant 0 : index
    %get3A_143 = vector.load %arg6[%get3A_141, %get3A_142] : memref<7x256xf32, #tpu.memory_space<vmem>>, vector<1x256xf32>
    %get3A_144 = vector.shape_cast %get3A_143 : vector<1x256xf32> to vector<256xf32>
    %broadcast_in_dim3A_145 = vector.shape_cast %get3A_144 : vector<256xf32> to vector<1x256xf32>
    %add3A_146 = vector.broadcast %broadcast_in_dim3A_145 : vector<1x256xf32> to vector<512x256xf32>
    %add3A_147 = arith.addf %dot_general3A_140, %add3A_146 : vector<512x256xf32>
    %eq3A_148 = arith.constant 5 : i32
    %eq3A_149 = vector.broadcast %eq3A_148 : i32 to vector<512x1xi32>
    %eq3A_150 = arith.cmpi eq, %get3A_14, %eq3A_149 : vector<512x1xi32>
    %gt3A_151 = arith.constant 0.000000e+00 : f32
    %gt3A_152 = vector.broadcast %gt3A_151 : f32 to vector<512x256xf32>
    %gt3A_153 = arith.cmpf ogt, %add3A_147, %gt3A_152 : vector<512x256xf32>
    %exp3A_154 = math.exp %add3A_147 : vector<512x256xf32>
    %sub3A_155 = arith.constant 1.000000e+00 : f32
    %sub3A_156 = vector.broadcast %sub3A_155 : f32 to vector<512x256xf32>
    %sub3A_157 = arith.subf %exp3A_154, %sub3A_156 : vector<512x256xf32>
    %select_n3A_158 = arith.select %gt3A_153, %add3A_147, %sub3A_157 : vector<512x256xi1>, vector<512x256xf32>
    %jit3A_159 = arith.constant 0.000000e+00 : f32
    %broadcast_in_dim3A_160 = vector.shape_cast %eq3A_150 : vector<512x1xi1> to vector<512x1xi1>
    %broadcast_in_dim3A_161 = vector.broadcast %broadcast_in_dim3A_160 : vector<512x1xi1> to vector<512x256xi1>
    %broadcast_in_dim3A_162 = vector.broadcast %jit3A_159 : f32 to vector<512x256xf32>
    %select_n3A_163 = arith.select %broadcast_in_dim3A_161, %select_n3A_158, %broadcast_in_dim3A_162 : vector<512x256xi1>, vector<512x256xf32>
    %add3A_164 = arith.addf %add3A_133, %select_n3A_163 : vector<512x256xf32>
    %get3A_165 = arith.constant 5 : index
    %get3A_166 = arith.constant 0 : index
    %get3A_167 = arith.constant 0 : index
    %get3A_168 = vector.load %arg5[%get3A_165, %get3A_166, %get3A_167] : memref<7x256x256xf32, #tpu.memory_space<vmem>>, vector<1x256x256xf32>
    %get3A_169 = vector.shape_cast %get3A_168 : vector<1x256x256xf32> to vector<256x256xf32>
    %dot_general3A_170 = arith.constant dense<0.000000e+00> : vector<512x256xf32>
    %dot_general3A_171 = tpu.matmul %add3A_9, %get3A_169, %dot_general3A_170 {dimension_numbers = #tpu.dot_dimension_numbers<[1], [0], [0], [1], [0, 0, 1, 1], [], []>, transpose_lhs_hint = false} : vector<512x256xf32>, vector<256x256xf32>, vector<512x256xf32> -> vector<512x256xf32>
    %get3A_172 = arith.constant 5 : index
    %get3A_173 = arith.constant 0 : index
    %get3A_174 = vector.load %arg6[%get3A_172, %get3A_173] : memref<7x256xf32, #tpu.memory_space<vmem>>, vector<1x256xf32>
    %get3A_175 = vector.shape_cast %get3A_174 : vector<1x256xf32> to vector<256xf32>
    %broadcast_in_dim3A_176 = vector.shape_cast %get3A_175 : vector<256xf32> to vector<1x256xf32>
    %add3A_177 = vector.broadcast %broadcast_in_dim3A_176 : vector<1x256xf32> to vector<512x256xf32>
    %add3A_178 = arith.addf %dot_general3A_171, %add3A_177 : vector<512x256xf32>
    %eq3A_179 = arith.constant 6 : i32
    %eq3A_180 = vector.broadcast %eq3A_179 : i32 to vector<512x1xi32>
    %eq3A_181 = arith.cmpi eq, %get3A_14, %eq3A_180 : vector<512x1xi32>
    %gt3A_182 = arith.constant 0.000000e+00 : f32
    %gt3A_183 = vector.broadcast %gt3A_182 : f32 to vector<512x256xf32>
    %gt3A_184 = arith.cmpf ogt, %add3A_178, %gt3A_183 : vector<512x256xf32>
    %exp3A_185 = math.exp %add3A_178 : vector<512x256xf32>
    %sub3A_186 = arith.constant 1.000000e+00 : f32
    %sub3A_187 = vector.broadcast %sub3A_186 : f32 to vector<512x256xf32>
    %sub3A_188 = arith.subf %exp3A_185, %sub3A_187 : vector<512x256xf32>
    %select_n3A_189 = arith.select %gt3A_184, %add3A_178, %sub3A_188 : vector<512x256xi1>, vector<512x256xf32>
    %jit3A_190 = arith.constant 0.000000e+00 : f32
    %broadcast_in_dim3A_191 = vector.shape_cast %eq3A_181 : vector<512x1xi1> to vector<512x1xi1>
    %broadcast_in_dim3A_192 = vector.broadcast %broadcast_in_dim3A_191 : vector<512x1xi1> to vector<512x256xi1>
    %broadcast_in_dim3A_193 = vector.broadcast %jit3A_190 : f32 to vector<512x256xf32>
    %select_n3A_194 = arith.select %broadcast_in_dim3A_192, %select_n3A_189, %broadcast_in_dim3A_193 : vector<512x256xi1>, vector<512x256xf32>
    %add3A_195 = arith.addf %add3A_164, %select_n3A_194 : vector<512x256xf32>
    %get3A_196 = arith.constant 6 : index
    %get3A_197 = arith.constant 0 : index
    %get3A_198 = arith.constant 0 : index
    %get3A_199 = vector.load %arg5[%get3A_196, %get3A_197, %get3A_198] : memref<7x256x256xf32, #tpu.memory_space<vmem>>, vector<1x256x256xf32>
    %get3A_200 = vector.shape_cast %get3A_199 : vector<1x256x256xf32> to vector<256x256xf32>
    %dot_general3A_201 = arith.constant dense<0.000000e+00> : vector<512x256xf32>
    %dot_general3A_202 = tpu.matmul %add3A_9, %get3A_200, %dot_general3A_201 {dimension_numbers = #tpu.dot_dimension_numbers<[1], [0], [0], [1], [0, 0, 1, 1], [], []>, transpose_lhs_hint = false} : vector<512x256xf32>, vector<256x256xf32>, vector<512x256xf32> -> vector<512x256xf32>
    %get3A_203 = arith.constant 6 : index
    %get3A_204 = arith.constant 0 : index
    %get3A_205 = vector.load %arg6[%get3A_203, %get3A_204] : memref<7x256xf32, #tpu.memory_space<vmem>>, vector<1x256xf32>
    %get3A_206 = vector.shape_cast %get3A_205 : vector<1x256xf32> to vector<256xf32>
    %broadcast_in_dim3A_207 = vector.shape_cast %get3A_206 : vector<256xf32> to vector<1x256xf32>
    %add3A_208 = vector.broadcast %broadcast_in_dim3A_207 : vector<1x256xf32> to vector<512x256xf32>
    %add3A_209 = arith.addf %dot_general3A_202, %add3A_208 : vector<512x256xf32>
    %eq3A_210 = arith.constant 7 : i32
    %eq3A_211 = vector.broadcast %eq3A_210 : i32 to vector<512x1xi32>
    %eq3A_212 = arith.cmpi eq, %get3A_14, %eq3A_211 : vector<512x1xi32>
    %gt3A_213 = arith.constant 0.000000e+00 : f32
    %gt3A_214 = vector.broadcast %gt3A_213 : f32 to vector<512x256xf32>
    %gt3A_215 = arith.cmpf ogt, %add3A_209, %gt3A_214 : vector<512x256xf32>
    %exp3A_216 = math.exp %add3A_209 : vector<512x256xf32>
    %sub3A_217 = arith.constant 1.000000e+00 : f32
    %sub3A_218 = vector.broadcast %sub3A_217 : f32 to vector<512x256xf32>
    %sub3A_219 = arith.subf %exp3A_216, %sub3A_218 : vector<512x256xf32>
    %select_n3A_220 = arith.select %gt3A_215, %add3A_209, %sub3A_219 : vector<512x256xi1>, vector<512x256xf32>
    %jit3A_221 = arith.constant 0.000000e+00 : f32
    %broadcast_in_dim3A_222 = vector.shape_cast %eq3A_212 : vector<512x1xi1> to vector<512x1xi1>
    %broadcast_in_dim3A_223 = vector.broadcast %broadcast_in_dim3A_222 : vector<512x1xi1> to vector<512x256xi1>
    %broadcast_in_dim3A_224 = vector.broadcast %jit3A_221 : f32 to vector<512x256xf32>
    %select_n3A_225 = arith.select %broadcast_in_dim3A_223, %select_n3A_220, %broadcast_in_dim3A_224 : vector<512x256xi1>, vector<512x256xf32>
    %add3A_226 = arith.addf %add3A_195, %select_n3A_225 : vector<512x256xf32>
    %get3A_227 = arith.constant 0 : index
    %get3A_228 = arith.constant 0 : index
    %get3A_229 = vector.load %arg7[%get3A_227, %get3A_228] : memref<256x512xf32, #tpu.memory_space<vmem>>, vector<256x512xf32>
    %dot_general3A_230 = arith.constant dense<0.000000e+00> : vector<512x512xf32>
    %dot_general3A_231 = tpu.matmul %add3A_226, %get3A_229, %dot_general3A_230 {dimension_numbers = #tpu.dot_dimension_numbers<[1], [0], [0], [1], [0, 0, 1, 1], [], []>, transpose_lhs_hint = false} : vector<512x256xf32>, vector<256x512xf32>, vector<512x512xf32> -> vector<512x512xf32>
    %get3A_232 = arith.constant 0 : index
    %get3A_233 = arith.constant 0 : index
    %get3A_234 = vector.load %arg8[%get3A_232, %get3A_233] : memref<1x512xf32, #tpu.memory_space<vmem>>, vector<1x512xf32>
    %add3A_235 = vector.broadcast %get3A_234 : vector<1x512xf32> to vector<512x512xf32>
    %add3A_236 = arith.addf %dot_general3A_231, %add3A_235 : vector<512x512xf32>
    %gt3A_237 = arith.constant 0.000000e+00 : f32
    %gt3A_238 = vector.broadcast %gt3A_237 : f32 to vector<512x512xf32>
    %gt3A_239 = arith.cmpf ogt, %add3A_236, %gt3A_238 : vector<512x512xf32>
    %exp3A_240 = math.exp %add3A_236 : vector<512x512xf32>
    %sub3A_241 = arith.constant 1.000000e+00 : f32
    %sub3A_242 = vector.broadcast %sub3A_241 : f32 to vector<512x512xf32>
    %sub3A_243 = arith.subf %exp3A_240, %sub3A_242 : vector<512x512xf32>
    %select_n3A_244 = arith.select %gt3A_239, %add3A_236, %sub3A_243 : vector<512x512xi1>, vector<512x512xf32>
    %get3A_245 = arith.constant 0 : index
    %get3A_246 = arith.constant 0 : index
    %get3A_247 = vector.load %arg9[%get3A_245, %get3A_246] : memref<512x256xf32, #tpu.memory_space<vmem>>, vector<512x256xf32>
    %dot_general3A_248 = arith.constant dense<0.000000e+00> : vector<512x256xf32>
    %dot_general3A_249 = tpu.matmul %select_n3A_244, %get3A_247, %dot_general3A_248 {dimension_numbers = #tpu.dot_dimension_numbers<[1], [0], [0], [1], [0, 0, 1, 1], [], []>, transpose_lhs_hint = false} : vector<512x512xf32>, vector<512x256xf32>, vector<512x256xf32> -> vector<512x256xf32>
    %get3A_250 = arith.constant 0 : index
    %get3A_251 = arith.constant 0 : index
    %get3A_252 = vector.load %arg10[%get3A_250, %get3A_251] : memref<1x256xf32, #tpu.memory_space<vmem>>, vector<1x256xf32>
    %add3A_253 = vector.broadcast %get3A_252 : vector<1x256xf32> to vector<512x256xf32>
    %add3A_254 = arith.addf %dot_general3A_249, %add3A_253 : vector<512x256xf32>
    %gt3A_255 = arith.constant 0.000000e+00 : f32
    %gt3A_256 = vector.broadcast %gt3A_255 : f32 to vector<512x256xf32>
    %gt3A_257 = arith.cmpf ogt, %add3A_254, %gt3A_256 : vector<512x256xf32>
    %exp3A_258 = math.exp %add3A_254 : vector<512x256xf32>
    %sub3A_259 = arith.constant 1.000000e+00 : f32
    %sub3A_260 = vector.broadcast %sub3A_259 : f32 to vector<512x256xf32>
    %sub3A_261 = arith.subf %exp3A_258, %sub3A_260 : vector<512x256xf32>
    %select_n3A_262 = arith.select %gt3A_257, %add3A_254, %sub3A_261 : vector<512x256xi1>, vector<512x256xf32>
    %add3A_263 = arith.addf %add3A_226, %select_n3A_262 : vector<512x256xf32>
    %gt3A_264 = arith.constant 0.000000e+00 : f32
    %gt3A_265 = vector.broadcast %gt3A_264 : f32 to vector<512x256xf32>
    %gt3A_266 = arith.cmpf ogt, %add3A_263, %gt3A_265 : vector<512x256xf32>
    %exp3A_267 = math.exp %add3A_263 : vector<512x256xf32>
    %sub3A_268 = arith.constant 1.000000e+00 : f32
    %sub3A_269 = vector.broadcast %sub3A_268 : f32 to vector<512x256xf32>
    %sub3A_270 = arith.subf %exp3A_267, %sub3A_269 : vector<512x256xf32>
    %select_n3A_271 = arith.select %gt3A_266, %add3A_263, %sub3A_270 : vector<512x256xi1>, vector<512x256xf32>
    %add3A_272 = arith.addf %select_n3A_271, %add3A_9 : vector<512x256xf32>
    %swap3A = arith.constant 0 : index
    %swap3A_273 = arith.constant 0 : index
    %swap3A_274 = vector.load %arg11[%swap3A, %swap3A_273] : memref<512x256xf32, #tpu.memory_space<vmem>>, vector<512x256xf32>
    tpu.vector_store %arg11[%swap3A, %swap3A_273], %add3A_272 {strides = array<i32>} : memref<512x256xf32, #tpu.memory_space<vmem>>, vector<512x256xf32>,
    return
  }
  func.func @transform_0(%arg0: i32) -> (i32, i32) {
    %c0_i32 = arith.constant 0 : i32
    %c0_i32_0 = arith.constant 0 : i32
    return %arg0, %c0_i32 : i32, i32
  }
  func.func @transform_1(%arg0: i32) -> (i32, i32, i32) {
    %c0_i32 = arith.constant 0 : i32
    %c0_i32_0 = arith.constant 0 : i32
    %c0_i32_1 = arith.constant 0 : i32
    return %arg0, %c0_i32, %c0_i32_0 : i32, i32, i32
  }
  func.func @transform_2(%arg0: i32) -> (i32, i32) {
    %c0_i32 = arith.constant 0 : i32
    %c0_i32_0 = arith.constant 0 : i32
    %c0_i32_1 = arith.constant 0 : i32
    return %c0_i32, %c0_i32_0 : i32, i32
  }
  func.func @transform_3(%arg0: i32) -> (i32, i32) {
    %c0_i32 = arith.constant 0 : i32
    %c0_i32_0 = arith.constant 0 : i32
    %c0_i32_1 = arith.constant 0 : i32
    return %c0_i32, %c0_i32_0 : i32, i32
  }
  func.func @transform_4(%arg0: i32) -> (i32, i32, i32) {
    %c0_i32 = arith.constant 0 : i32
    %c0_i32_0 = arith.constant 0 : i32
    %c0_i32_1 = arith.constant 0 : i32
    %c0_i32_2 = arith.constant 0 : i32
    return %c0_i32, %c0_i32_0, %c0_i32_1 : i32, i32, i32
  }
  func.func @transform_5(%arg0: i32) -> (i32, i32) {
    %c0_i32 = arith.constant 0 : i32
    %c0_i32_0 = arith.constant 0 : i32
    %c0_i32_1 = arith.constant 0 : i32
    return %c0_i32, %c0_i32_0 : i32, i32
  }
  func.func @transform_6(%arg0: i32) -> (i32, i32) {
    %c0_i32 = arith.constant 0 : i32
    %c0_i32_0 = arith.constant 0 : i32
    %c0_i32_1 = arith.constant 0 : i32
    return %c0_i32, %c0_i32_0 : i32, i32
  }
  func.func @transform_7(%arg0: i32) -> (i32, i32) {
    %c0_i32 = arith.constant 0 : i32
    %c0_i32_0 = arith.constant 0 : i32
    %c0_i32_1 = arith.constant 0 : i32
    return %c0_i32, %c0_i32_0 : i32, i32
  }
  func.func @transform_8(%arg0: i32) -> (i32, i32) {
    %c0_i32 = arith.constant 0 : i32
    %c0_i32_0 = arith.constant 0 : i32
    %c0_i32_1 = arith.constant 0 : i32
    return %c0_i32, %c0_i32_0 : i32, i32
  }
  func.func @transform_9(%arg0: i32) -> (i32, i32) {
    %c0_i32 = arith.constant 0 : i32
    %c0_i32_0 = arith.constant 0 : i32
    %c0_i32_1 = arith.constant 0 : i32
    return %c0_i32, %c0_i32_0 : i32, i32
  }
  func.func @transform_10(%arg0: i32) -> (i32, i32) {
    %c0_i32 = arith.constant 0 : i32
    %c0_i32_0 = arith.constant 0 : i32
    return %arg0, %c0_i32 : i32, i32
  }
}

module attributes {stable_mosaic.version = 14 : i64} {
  func.func @_blend_kernel(%arg0: i32, %arg1: memref<512x256xf32, #tpu.memory_space<vmem>>, %arg2: memref<1x512x1xi32, #tpu.memory_space<vmem>>, %arg3: memref<8x256xf32, #tpu.memory_space<vmem>>, %arg4: memref<512x256xf32, #tpu.memory_space<vmem>>) attributes {dimension_semantics = [#tpu.dimension_semantics<arbitrary>], iteration_bounds = array<i64: 81>, scalar_prefetch = 0 : i64, scratch_operands = 0 : i64, tpu.core_type = #tpu.core_type<tc>, window_params = [{transform_indices = @transform_0, window_bounds = array<i64: 512, 256>}, {transform_indices = @transform_1, window_bounds = array<i64: 1, 512, 1>}, {pipeline_mode = #tpu.pipeline_mode<synchronous>, transform_indices = @transform_2, window_bounds = array<i64: 8, 256>}, {transform_indices = @transform_3, window_bounds = array<i64: 512, 256>}]} {
    %get3A = arith.constant 0 : index
    %get3A_0 = arith.constant 0 : index
    %get3A_1 = arith.constant 0 : index
    %get3A_2 = vector.load %arg2[%get3A, %get3A_0, %get3A_1] : memref<1x512x1xi32, #tpu.memory_space<vmem>>, vector<1x512x1xi32>
    %get3A_3 = vector.shape_cast %get3A_2 : vector<1x512x1xi32> to vector<512x1xi32>
    %iota3A = tpu.iota {dimensions = array<i32: 1>} : vector<1x8xi32>
    %eq3A = vector.broadcast %get3A_3 : vector<512x1xi32> to vector<512x8xi32>
    %eq3A_4 = vector.broadcast %iota3A : vector<1x8xi32> to vector<512x8xi32>
    %eq3A_5 = arith.cmpi eq, %eq3A, %eq3A_4 : vector<512x8xi32>
    %convert_element_type3A = arith.extui %eq3A_5 : vector<512x8xi1> to vector<512x8xi32>
    %convert_element_type3A_6 = arith.sitofp %convert_element_type3A : vector<512x8xi32> to vector<512x8xf32>
    %get3A_7 = arith.constant 0 : index
    %get3A_8 = arith.constant 0 : index
    %get3A_9 = vector.load %arg3[%get3A_7, %get3A_8] : memref<8x256xf32, #tpu.memory_space<vmem>>, vector<8x256xf32>
    %dot_general3A = arith.constant dense<0.000000e+00> : vector<512x256xf32>
    %dot_general3A_10 = tpu.matmul %convert_element_type3A_6, %get3A_9, %dot_general3A {dimension_numbers = #tpu.dot_dimension_numbers<[1], [0], [0], [1], [0, 0, 1, 1], [], []>, transpose_lhs_hint = false} : vector<512x8xf32>, vector<8x256xf32>, vector<512x256xf32> -> vector<512x256xf32>
    %eq3A_11 = arith.constant 0 : i32
    %eq3A_12 = vector.broadcast %eq3A_11 : i32 to vector<512x1xi32>
    %eq3A_13 = arith.cmpi eq, %get3A_3, %eq3A_12 : vector<512x1xi32>
    %get3A_14 = arith.constant 0 : index
    %get3A_15 = arith.constant 0 : index
    %get3A_16 = vector.load %arg1[%get3A_14, %get3A_15] : memref<512x256xf32, #tpu.memory_space<vmem>>, vector<512x256xf32>
    %broadcast_in_dim3A = vector.shape_cast %eq3A_13 : vector<512x1xi1> to vector<512x1xi1>
    %broadcast_in_dim3A_17 = vector.broadcast %broadcast_in_dim3A : vector<512x1xi1> to vector<512x256xi1>
    %select_n3A = arith.select %broadcast_in_dim3A_17, %get3A_16, %dot_general3A_10 : vector<512x256xi1>, vector<512x256xf32>
    %swap3A = arith.constant 0 : index
    %swap3A_18 = arith.constant 0 : index
    %swap3A_19 = vector.load %arg4[%swap3A, %swap3A_18] : memref<512x256xf32, #tpu.memory_space<vmem>>, vector<512x256xf32>
    tpu.vector_store %arg4[%swap3A, %swap3A_18], %select_n3A {strides = array<i32>} : memref<512x256xf32, #tpu.memory_space<vmem>>, vector<512x256xf32>,
    return
  }
  func.func @transform_0(%arg0: i32) -> (i32, i32) {
    %c0_i32 = arith.constant 0 : i32
    %c0_i32_0 = arith.constant 0 : i32
    return %arg0, %c0_i32 : i32, i32
  }
  func.func @transform_1(%arg0: i32) -> (i32, i32, i32) {
    %c0_i32 = arith.constant 0 : i32
    %c0_i32_0 = arith.constant 0 : i32
    %c0_i32_1 = arith.constant 0 : i32
    return %arg0, %c0_i32, %c0_i32_0 : i32, i32, i32
  }
  func.func @transform_2(%arg0: i32) -> (i32, i32) {
    %c0_i32 = arith.constant 0 : i32
    %c0_i32_0 = arith.constant 0 : i32
    %c0_i32_1 = arith.constant 0 : i32
    return %c0_i32, %c0_i32_0 : i32, i32
  }
  func.func @transform_3(%arg0: i32) -> (i32, i32) {
    %c0_i32 = arith.constant 0 : i32
    %c0_i32_0 = arith.constant 0 : i32
    return %arg0, %c0_i32 : i32, i32
  }
}

</mosaic_0001>

<sc_bundles>
// kernel: kernel.11.cloned.1.call-start
scs
__scs_entry_jumppad:
0x0: {  	(pc) =	sbr.rel $0x88, $3  }
0x1: {  	(tag) =	ssettag $0x0;
	lr =	simm.s32 $0x1  }
0x2: {  	[smem:$0x3F95] =	sst lr;
	_ =	strace $0xD0000000  }
0x3: {  	_ = 	snop  }
0x4: {  	_ = 	snop  }
0x5: {  	_ = 	snop  }
0x6: {  	_ = 	snop  }
0x7: {  	_ = 	snop  }
__scs_overlays_trampoline_lowered:
0x8: {  	[smem:$0x3FA4] =	sst s0  }
0x9: {  	[smem:$0x3FA5] =	sst s1  }
0xa: {  	[smem:$0x3FA6] =	sst s2  }
0xb: {  	[smem:$0x3FA7] =	sst s3  }
0xc: {  	[smem:$0x3FA8] =	sst s4  }
0xd: {  	[smem:$0x3FA9] =	sst s5  }
0xe: {  	[smem:$0x3FAA] =	sst s6  }
0xf: {  	[smem:$0x3FAB] =	sst s7  }
0x10: {  	[smem:$0x3FAC] =	sst s8  }
0x11: {  	[smem:$0x3FAD] =	sst s9;
	s0 =	simm.s32 @!p0 $0x0  }
0x12: {  	s1 =	sld [smem:$0x3F93];
	s0 =	simm.s32 @p0 $0x1  }
0x13: {  	[smem:$0x3FAE] =	sst s0;
	s0 =	simm.s32 @!p1 $0x0  }
0x14: {  	s2 =	sld [smem:$0x3F92];
	s0 =	simm.s32 @p1 $0x1  }
0x15: {  	[smem:$0x3FAF] =	sst s0;
	s0 =	simm.s32 @!p2 $0x0  }
0x16: {  	s3 =	sld [smem:$0x3FDB];
	s0 =	simm.s32 @p2 $0x1  }
0x17: {  	s4 =	simm.s32 $0x1BF5;
	[smem:$0x3FB1] =	sst s0  }
0x18: {  	s0 =	sld [smem:$0x3F94];
	_ =	swait.ge [sflag:s4], $0x0  }
0x19: {  	s7 =	sld [smem:$0x3F95]  }
0x1a: {  	s8 =	sadd.s32 $0xFFFFE003, lr  }
0x1b: {  	s9 =	sadd.s32 $0xFFFFFEF7, lr;
	s5 =	simm.s32 $0xFFFFFFFF;
	p2 =	slt.u32 s8, $0xFFFFF086  }
0x1c: {  	p1 =	slt.u32 s9, $0xF7A;
	s5 =	simm.s32 @!p2 $0x0  }
0x1d: {  	s5 =	simm.s32 @p1 $0x1;
	p0 =	seq.s32 s7, s2  }
0x1e: {  	s7 =	smul.u32 @!p0 $0xF7A, s2;
	p2 =	seq.s32 @!p0 s5, $0x0  }
0x1f: {  	s9 =	smul.u32 $0xF7A, s1;
	s8 =	simm.s32 @!p0 $0x1BF5;
	p2 =	por !p2, p0  }
0x20: {  	[sflag:s8] =	ssyncset.s32 @!p0 $0xFFFFF086;
	s6 =	sadd.s32 @!p0 s3, s7;
	s7 =	simm.s32 @!p0 $0x108  }
0x21: {  	s3 =	sadd.s32 s3, s9;
	s6 =	sadd.s32 @!p0 $0x88, s6;
	s7 =	simm.s32 @p2 $0x1082  }
0x22: {  	[simem:s7], [sflag:s8] =	dma.local @!p0 [hbm:s6], $0xF7A  }
0x23: {  	s9 =	sor.u32 $0xD0000000, s2;
	s6 =	simm.s32 $0x108;
	_ =	swait.ge @!p0 [sflag:s8], $0x0  }
0x24: {  	s3 =	sadd.s32 $0x88, s3;
	s6 =	simm.s32 @!p1 $0x1082;
	[sflag:s4] =	ssyncset.s32 $0xFFFFF086  }
0x25: {  	[simem:s6], [sflag:s4] =	dma.local [hbm:s3], $0xF7A  }
0x26: {  	[smem:$0x3F95] =	sst s1;
	(tag) =	ssettag s2;
	_ =	strace s9  }
0x27: {  	s1 =	sld [smem:$0x3FA5]  }
0x28: {  	s2 =	sld [smem:$0x3FA6]  }
0x29: {  	s4 =	sld [smem:$0x3FA8]  }
0x2a: {  	p0 =	seq.s32 s5, $0x0;
	s5 =	sld [smem:$0x3FA9]  }
0x2b: {  	s6 =	sld [smem:$0x3FAA]  }
0x2c: {  	s7 =	sld [smem:$0x3FAB]  }
0x2d: {  	s3 =	simm.s32 $0x108;
	s8 =	sld [smem:$0x3FAC]  }
0x2e: {  	s3 =	simm.s32 @!p0 $0x1082;
	s9 =	sld [smem:$0x3FAD]  }
0x2f: {  	lr =	sadd.s32 s0, s3;
	s0 =	sld [smem:$0x3FA4]  }
0x30: {  	s3 =	sld [smem:$0x3FA7]  }
0x31: {  	[smem:$0x3FB0] =	sst s10  }
0x32: {  	s10 =	sld [smem:$0x3FAE];
	_ =	sdelay $0x3  }
0x33: {  	p0 =	seq.s32 s10, $0x1;
	s10 =	sld [smem:$0x3FB0];
	_ =	sdelay $0x3  }
0x34: {  	[smem:$0x3FB0] =	sst s10  }
0x35: {  	s10 =	sld [smem:$0x3FAF];
	_ =	sdelay $0x3  }
0x36: {  	p1 =	seq.s32 s10, $0x1;
	s10 =	sld [smem:$0x3FB0];
	_ =	sdelay $0x3  }
0x37: {  	[smem:$0x3FB0] =	sst s10  }
0x38: {  	s10 =	sld [smem:$0x3FB1]  }
0x39: {  	_ = 	snop;
	(pc) =	sbr.ind lr, $3  }
0x3a: {  	_ = 	snop  }
0x3b: {  	_ = 	snop  }
0x3c: {  	p2 =	seq.s32 s10, $0x1;
	s10 =	sld [smem:$0x3FB0]  }
0x3d: {  	_ =	shalt  }
0x3e: {  	_ =	shalt  }
0x3f: {  	_ =	shalt  }
0x40: {  	_ =	shalt  }
0x41: {  	_ =	shalt  }
0x42: {  	_ =	shalt  }
0x43: {  	_ =	shalt  }
0x44: {  	_ =	shalt  }
0x45: {  	_ =	shalt  }
0x46: {  	_ =	shalt  }
0x47: {  	_ =	shalt  }
0x48: {  	_ =	shalt  }
0x49: {  	_ =	shalt  }
0x4a: {  	_ =	shalt  }
0x4b: {  	_ =	shalt  }
0x4c: {  	_ =	shalt  }
0x4d: {  	_ =	shalt  }
0x4e: {  	_ =	shalt  }
0x4f: {  	_ =	shalt  }
0x50: {  	_ =	shalt  }
0x51: {  	_ =	shalt  }
0x52: {  	_ =	shalt  }
0x53: {  	_ =	shalt  }
0x54: {  	_ =	shalt  }
0x55: {  	_ =	shalt  }
0x56: {  	_ =	shalt  }
0x57: {  	_ =	shalt  }
0x58: {  	_ =	shalt  }
0x59: {  	_ =	shalt  }
0x5a: {  	_ =	shalt  }
0x5b: {  	_ =	shalt  }
0x5c: {  	_ =	shalt  }
0x5d: {  	_ =	shalt  }
0x5e: {  	_ =	shalt  }
0x5f: {  	_ =	shalt  }
0x60: {  	_ =	shalt  }
0x61: {  	_ =	shalt  }
0x62: {  	_ =	shalt  }
0x63: {  	_ =	shalt  }
0x64: {  	_ =	shalt  }
0x65: {  	_ =	shalt  }
0x66: {  	_ =	shalt  }
0x67: {  	_ =	shalt  }
0x68: {  	_ =	shalt  }
0x69: {  	_ =	shalt  }
0x6a: {  	_ =	shalt  }
0x6b: {  	_ =	shalt  }
0x6c: {  	_ =	shalt  }
0x6d: {  	_ =	shalt  }
0x6e: {  	_ =	shalt  }
0x6f: {  	_ =	shalt  }
0x70: {  	_ =	shalt  }
0x71: {  	_ =	shalt  }
0x72: {  	_ =	shalt  }
0x73: {  	_ =	shalt  }
0x74: {  	_ =	shalt  }
0x75: {  	_ =	shalt  }
0x76: {  	_ =	shalt  }
0x77: {  	_ =	shalt  }
0x78: {  	_ =	shalt  }
0x79: {  	_ =	shalt  }
0x7a: {  	_ =	shalt  }
0x7b: {  	_ =	shalt  }
0x7c: {  	_ =	shalt  }
0x7d: {  	_ =	shalt  }
0x7e: {  	_ =	shalt  }
0x7f: {  	_ =	shalt  }
0x80: {  	_ =	shalt  }
0x81: {  	_ =	shalt  }
0x82: {  	_ =	shalt  }
0x83: {  	_ =	shalt  }
0x84: {  	_ =	shalt  }
0x85: {  	_ =	shalt  }
0x86: {  	_ =	shalt  }
0x87: {  	_ =	shalt  }
.Lfunc_end0:
.L_simem_size_0:
called_computation.1_lowered:
.L_overlay_start_0:
0x88: {  	s2 =	sld [smem:$0x3FD9]  }
0x89: {  	s3 =	sld [smem:$0x3FFE];
	_ =	sdelay $0x1  }
0x8a: {  	s1 =	srdreg.scid  }
0x8b: {  	s0 =	sand.u32 $0x1, s1  }
0x8c: {  	s16 =	sshll.u32 s0, $0xA;
	s2 =	sadd.s32 s3, s2  }
0x8d: {  	s2 =	sadd.s32 s2, s16  }
0x8e: {  	[smem:$0x3FBC] =	sst s2  }
0x8f: {  	_ = 	snop  }
0x90: {  	(tm) =	ssettm $0x1  }
0x91: {  	s17 =	sld [smem:$0x3FFB];
	_ =	sdelay $0x3  }
0x92: {  	_ =	strace s17  }
0x93: {  	s2 =	sld [smem:$0x3FFC];
	_ =	sdelay $0x3  }
0x94: {  	_ =	strace s2  }
0x95: {  	s2 =	sld [smem:$0x3FFD];
	_ =	sdelay $0x3  }
0x96: {  	_ =	strace s2  }
0x97: {  	_ =	strace $0x8FFFFFFF  }
0x98: {  	s18 =	sld [smem:$0x3FDB];
	_ =	sdelay $0x1  }
0x99: {  	s19 =	simm.s32 $_scs_section_size  }
0x9a: {  	s4 =	simm.s32 $_size__tile_overlayer_lowered;
	s5 =	simm.s32 $_tile_overlayer_lowered  }
0x9b: {  	s22 =	simm.s32 $0x1BFF;
	s21 =	sshll.u32 s5, $0x1;
	s2 =	sadd.s32 s19, s18  }
0x9c: {  	s6 =	simm.s32 $0x0;
	s20 =	sshll.u32 s4, $0x1;
	s4 =	sadd.s32 s21, s2  }
0x9d: {  	[timem:s6], [sflag:s22] =	dma.local [hbm:s4], s20  }
0x9e: {  	_ =	swait.ge [sflag:s22], s20  }
0x9f: {  	s3 =	ssub.s32 $0x0, s20;
	[sflag:s22] =	ssyncset.done $0x0  }
0xa0: {  	[sflag:s22] =	ssyncadd.s32 s3;
	_ =	sdelay $0x1  }
0xa1: {  	s23 =	simm.s32 $0x1B8B  }
0xa2: {  	_ =	swait.ge [sflag:s23], $0x1  }
0xa3: {  	[sflag:s23] =	ssyncset.done $0x0  }
0xa4: {  	s25 =	simm.s32 $0x1B8E;
	s24 =	sld [smem:$0x3FFE];
	[sflag:s23] =	ssyncadd.s32 $0xFFFFFFFF  }
0xa5: {  	s26 =	simm.s32 $execute0_lowered;
	[smem:$0x3FD2] =	sst s25  }
0xa6: {  	s4 =	sshll.u32 s26, $0x1;
	_ =	strace $0x80000049;
	[dreg:$0x1] =	wrdreg $0xFFFFFFFF  }
0xa7: {  	s28 =	simm.s32 $_size_execute0_lowered;
	s2 =	sadd.s32 s2, s4;
	[dreg:$0x0] =	wrdreg $0x0  }
0xa8: {  	s4 =	sshll.u32 s28, $0x1;
	[dreg:$0x2] =	wrdreg s2  }
0xa9: {  	[dreg:$0x3] =	wrdreg s4  }
0xaa: {  	[dreg:$0x4] =	wrdreg $0xC0  }
0xab: {  	_ =	task [dreg:s6], $0x5FFFF  }
0xac: {  	[dreg:$0x1] =	wrdreg $0xFFFFFFFF  }
0xad: {  	[dreg:$0x0] =	wrdreg $0x60  }
0xae: {  	[dreg:$0x2] =	wrdreg s24  }
0xaf: {  	[dreg:$0x3] =	wrdreg $0x9  }
0xb0: {  	_ =	task.clear_ibuf [dreg:s6], $0x4FFFF;
	_ =	strace $0x90000049  }
0xb1: {  	s29 =	simm.s32 $0x9;
	_ =	strace $0x8000004B  }
0xb2: {  	_ =	swait.ge [sflag:s29], $0x1  }
0xb3: {  	[sflag:s29] =	ssyncadd.s32 $0xFFFFFFFF  }
0xb4: {  	_ =	strace $0x9000004B  }
0xb5: {  	_ =	sfence  }
0xb6: {  	s30 =	sld [smem:$0x0];
	_ =	sdelay $0x2  }
0xb7: {  	s31 =	sshll.u32 s1, $0xD;
	s1 =	sshrl.u32 s1, $0x2  }
0xb8: {  	s3 =	sand.u32 $0x4000, s31;
	s1 =	sadd.s32 s1, s30  }
0xb9: {  	s0 =	sor.u32 s3, s0;
	s1 =	sshll.u32 s1, $0x11  }
0xba: {  	s0 =	sor.u32 s1, s0  }
0xbb: {  	s0 =	sadd.s32 $0x8F2B, s0  }
0xbc: {  	[sflag:s0] =	ssyncadd.remote.s32 $0x1  }
0xbd: {  	_ =	sfence.sel $0xFFFF  }
0xbe: {  	[dreg:$0x0] =	wrdreg $0xFFFFFFFF;
	(pc) =	sbr.abs _section_cstart, $3  }
0xbf: {  	[dreg:$0x1] =	wrdreg $0xFFFFFFFF  }
0xc0: {  	_ =	task.clear_ibuf [dreg:s6], $0x2FFFF;
	_ =	strace $0x9FFFFFFF  }
0xc1: {  	(tm) =	ssettm $0x7FFFFFFF  }
tec
execute0_lowered:
.L_overlay_start_1:
0x0: {  	(tag) =	ssettag $0x1  }
0x1: {  	s1 =	srdreg.scid  }
0x2: {  	s4 =	sand.u32 $0x1, s1  }
0x3: {  	s5 =	sshll.u32 s4, $0x4;
	s4 =	ssub.s32 $0x2, s4  }
0x4: {  	s3 =	rddreg [dreg:$0x0];
	s31 =	sshrl.u32 s4, $0x1  }
0x5: {  	s0 =	rddreg [dreg:$0x1];
	s4 =	ssub.s32 s4, s31  }
0x6: {  	s1 =	stileid.u32;
	s3 =	sadd.s32 s5, s3;
	s5 =	smax.u32 s4, $0x1  }
0x7: {  	s2 =	simm.s32 $0x0;
	s6 =	sshll.u32 s1, $0x5;
	p0 =	sne.s32 s5, $0x1  }
.Ltmp0:
0x8: {  	[smem:$0x7FF] =	sst s2;
	s3 =	sadd.s32 s6, s3;
	(pc) =	sbr.rel @!p0 .LBB2_2-.Ltmp0, $4  }
0x9: {  	_ =	strace $0x8000004A;
	s3 =	sadd.s32 $0x147200, s3;
	s4 =	simm.s32 $0x1  }
0xa: {  	[tilespmem:s2], [sflag:$0x1] =	stream.linear.gather [hbm4b:s3+s2], $0x80, $0x38;
	[tilespmem:$0x80] =	vst v63  }
0xb: {  	_ =	swait.ge [sflag:s4], $0x80  }
0xc: {  	s5 =	sadd.s32 $0xFFFFFFFF, s5;
	[sflag:s4] =	ssyncset.done $0x0  }
.LBB2_1:
0xd: {  	p0 =	sne.s32 s5, $0x1;
	s5 =	sadd.s32 $0xFFFFFFFF, s5;
	[sflag:s4] =	ssyncadd.s32 $0xFFFFFF80  }
.Ltmp1:
0xe: {  	(pc) =	sbr.rel @p0 .LBB2_1-.Ltmp1, $4  }
0xf: {  	_ = 	snop  }
0x10: {  	[tilespmem:s2], [sflag:$0x1] =	stream.linear.gather [hbm4b:s3+s2], $0x80, $0x38;
	[tilespmem:$0x80] =	vst v63  }
0x11: {  	_ =	swait.ge [sflag:s4], $0x80  }
0x12: {  	[sflag:s4] =	ssyncset.done $0x0  }
.LBB2_2:
0x13: {  	[sflag:s4] =	ssyncadd.s32 $0xFFFFFF80  }
0x14: {  	_ =	sfence.sel $0x180000  }
0x15: {  	[bflag:$0x0] =	sbarrier.arrive $0xFFFF  }
0x16: {  	p0 =	sne.s32 s1, $0x0;
	_ =	strace $0x9000004A  }
0x17: {  	s0 =	sadd.s32 @!p0 $0x100000, s0;
	[bflag:$0x2] =	sbarrier.arrive $0xFFFF  }
0x18: {  	[sflag:s0] =	ssyncadd.tile.s32 @!p0 $0x1;
	_ =	shalt  }
.Lfunc_end2:
_tile_overlayer_lowered:
.L_overlay_start_2:
0x19: {  	(tag) =	ssettag $0x2  }
0x1a: {  	s0 =	rddreg [dreg:$0x0];
	s2 =	stileid.u32  }
0x1b: {  	s1 =	rddreg [dreg:$0x1];
	p0 =	sne.s32 s2, $0x0  }
0x1c: {  	s3 =	rddreg [dreg:$0x2];
	[bflag:$0x3] =	sbarrier.arrive $0xFFFF;
	s2 =	simm.s32 @!p0 $0x1C01  }
0x1d: {  	[timem:s3], [sflag:s2] =	dma.local @!p0 [hbm:s0], s1  }
0x1e: {  	s0 =	simm.s32 @!p0 $0x1  }
0x1f: {  	_ =	swait.ge @!p0 [sflag:s0], s1  }
0x20: {  	s1 =	ssub.s32 @!p0 $0x0, s1;
	[sflag:s0] =	ssyncset.done @!p0 $0x0  }
0x21: {  	[sflag:s0] =	ssyncadd.s32 @!p0 s1  }
0x22: {  	[bflag:$0x3] =	sbarrier.arrive $0xFFFF  }
0x23: {  	_ =	shalt  }

// kernel: kernel.8.cloned.1.call-start
scs
__scs_entry_jumppad:
0x0: {  	(pc) =	sbr.rel $0x88, $3  }
0x1: {  	(tag) =	ssettag $0x0;
	lr =	simm.s32 $0x1  }
0x2: {  	[smem:$0x3F95] =	sst lr;
	_ =	strace $0xD0000000  }
0x3: {  	_ = 	snop  }
0x4: {  	_ = 	snop  }
0x5: {  	_ = 	snop  }
0x6: {  	_ = 	snop  }
0x7: {  	_ = 	snop  }
__scs_overlays_trampoline_lowered:
0x8: {  	[smem:$0x3FA4] =	sst s0  }
0x9: {  	[smem:$0x3FA5] =	sst s1  }
0xa: {  	[smem:$0x3FA6] =	sst s2  }
0xb: {  	[smem:$0x3FA7] =	sst s3  }
0xc: {  	[smem:$0x3FA8] =	sst s4  }
0xd: {  	[smem:$0x3FA9] =	sst s5  }
0xe: {  	[smem:$0x3FAA] =	sst s6  }
0xf: {  	[smem:$0x3FAB] =	sst s7  }
0x10: {  	[smem:$0x3FAC] =	sst s8  }
0x11: {  	[smem:$0x3FAD] =	sst s9;
	s0 =	simm.s32 @!p0 $0x0  }
0x12: {  	s1 =	sld [smem:$0x3F93];
	s0 =	simm.s32 @p0 $0x1  }
0x13: {  	[smem:$0x3FAE] =	sst s0;
	s0 =	simm.s32 @!p1 $0x0  }
0x14: {  	s2 =	sld [smem:$0x3F92];
	s0 =	simm.s32 @p1 $0x1  }
0x15: {  	[smem:$0x3FAF] =	sst s0;
	s0 =	simm.s32 @!p2 $0x0  }
0x16: {  	s3 =	sld [smem:$0x3FDB];
	s0 =	simm.s32 @p2 $0x1  }
0x17: {  	s4 =	simm.s32 $0x1BF5;
	[smem:$0x3FB1] =	sst s0  }
0x18: {  	s0 =	sld [smem:$0x3F94];
	_ =	swait.ge [sflag:s4], $0x0  }
0x19: {  	s7 =	sld [smem:$0x3F95]  }
0x1a: {  	s8 =	sadd.s32 $0xFFFFE003, lr  }
0x1b: {  	s9 =	sadd.s32 $0xFFFFFEF7, lr;
	s5 =	simm.s32 $0xFFFFFFFF;
	p2 =	slt.u32 s8, $0xFFFFF086  }
0x1c: {  	p1 =	slt.u32 s9, $0xF7A;
	s5 =	simm.s32 @!p2 $0x0  }
0x1d: {  	s5 =	simm.s32 @p1 $0x1;
	p0 =	seq.s32 s7, s2  }
0x1e: {  	s7 =	smul.u32 @!p0 $0xF7A, s2;
	p2 =	seq.s32 @!p0 s5, $0x0  }
0x1f: {  	s9 =	smul.u32 $0xF7A, s1;
	s8 =	simm.s32 @!p0 $0x1BF5;
	p2 =	por !p2, p0  }
0x20: {  	[sflag:s8] =	ssyncset.s32 @!p0 $0xFFFFF086;
	s6 =	sadd.s32 @!p0 s3, s7;
	s7 =	simm.s32 @!p0 $0x108  }
0x21: {  	s3 =	sadd.s32 s3, s9;
	s6 =	sadd.s32 @!p0 $0x88, s6;
	s7 =	simm.s32 @p2 $0x1082  }
0x22: {  	[simem:s7], [sflag:s8] =	dma.local @!p0 [hbm:s6], $0xF7A  }
0x23: {  	s9 =	sor.u32 $0xD0000000, s2;
	s6 =	simm.s32 $0x108;
	_ =	swait.ge @!p0 [sflag:s8], $0x0  }
0x24: {  	s3 =	sadd.s32 $0x88, s3;
	s6 =	simm.s32 @!p1 $0x1082;
	[sflag:s4] =	ssyncset.s32 $0xFFFFF086  }
0x25: {  	[simem:s6], [sflag:s4] =	dma.local [hbm:s3], $0xF7A  }
0x26: {  	[smem:$0x3F95] =	sst s1;
	(tag) =	ssettag s2;
	_ =	strace s9  }
0x27: {  	s1 =	sld [smem:$0x3FA5]  }
0x28: {  	s2 =	sld [smem:$0x3FA6]  }
0x29: {  	s4 =	sld [smem:$0x3FA8]  }
0x2a: {  	p0 =	seq.s32 s5, $0x0;
	s5 =	sld [smem:$0x3FA9]  }
0x2b: {  	s6 =	sld [smem:$0x3FAA]  }
0x2c: {  	s7 =	sld [smem:$0x3FAB]  }
0x2d: {  	s3 =	simm.s32 $0x108;
	s8 =	sld [smem:$0x3FAC]  }
0x2e: {  	s3 =	simm.s32 @!p0 $0x1082;
	s9 =	sld [smem:$0x3FAD]  }
0x2f: {  	lr =	sadd.s32 s0, s3;
	s0 =	sld [smem:$0x3FA4]  }
0x30: {  	s3 =	sld [smem:$0x3FA7]  }
0x31: {  	[smem:$0x3FB0] =	sst s10  }
0x32: {  	s10 =	sld [smem:$0x3FAE];
	_ =	sdelay $0x3  }
0x33: {  	p0 =	seq.s32 s10, $0x1;
	s10 =	sld [smem:$0x3FB0];
	_ =	sdelay $0x3  }
0x34: {  	[smem:$0x3FB0] =	sst s10  }
0x35: {  	s10 =	sld [smem:$0x3FAF];
	_ =	sdelay $0x3  }
0x36: {  	p1 =	seq.s32 s10, $0x1;
	s10 =	sld [smem:$0x3FB0];
	_ =	sdelay $0x3  }
0x37: {  	[smem:$0x3FB0] =	sst s10  }
0x38: {  	s10 =	sld [smem:$0x3FB1]  }
0x39: {  	_ = 	snop;
	(pc) =	sbr.ind lr, $3  }
0x3a: {  	_ = 	snop  }
0x3b: {  	_ = 	snop  }
0x3c: {  	p2 =	seq.s32 s10, $0x1;
	s10 =	sld [smem:$0x3FB0]  }
0x3d: {  	_ =	shalt  }
0x3e: {  	_ =	shalt  }
0x3f: {  	_ =	shalt  }
0x40: {  	_ =	shalt  }
0x41: {  	_ =	shalt  }
0x42: {  	_ =	shalt  }
0x43: {  	_ =	shalt  }
0x44: {  	_ =	shalt  }
0x45: {  	_ =	shalt  }
0x46: {  	_ =	shalt  }
0x47: {  	_ =	shalt  }
0x48: {  	_ =	shalt  }
0x49: {  	_ =	shalt  }
0x4a: {  	_ =	shalt  }
0x4b: {  	_ =	shalt  }
0x4c: {  	_ =	shalt  }
0x4d: {  	_ =	shalt  }
0x4e: {  	_ =	shalt  }
0x4f: {  	_ =	shalt  }
0x50: {  	_ =	shalt  }
0x51: {  	_ =	shalt  }
0x52: {  	_ =	shalt  }
0x53: {  	_ =	shalt  }
0x54: {  	_ =	shalt  }
0x55: {  	_ =	shalt  }
0x56: {  	_ =	shalt  }
0x57: {  	_ =	shalt  }
0x58: {  	_ =	shalt  }
0x59: {  	_ =	shalt  }
0x5a: {  	_ =	shalt  }
0x5b: {  	_ =	shalt  }
0x5c: {  	_ =	shalt  }
0x5d: {  	_ =	shalt  }
0x5e: {  	_ =	shalt  }
0x5f: {  	_ =	shalt  }
0x60: {  	_ =	shalt  }
0x61: {  	_ =	shalt  }
0x62: {  	_ =	shalt  }
0x63: {  	_ =	shalt  }
0x64: {  	_ =	shalt  }
0x65: {  	_ =	shalt  }
0x66: {  	_ =	shalt  }
0x67: {  	_ =	shalt  }
0x68: {  	_ =	shalt  }
0x69: {  	_ =	shalt  }
0x6a: {  	_ =	shalt  }
0x6b: {  	_ =	shalt  }
0x6c: {  	_ =	shalt  }
0x6d: {  	_ =	shalt  }
0x6e: {  	_ =	shalt  }
0x6f: {  	_ =	shalt  }
0x70: {  	_ =	shalt  }
0x71: {  	_ =	shalt  }
0x72: {  	_ =	shalt  }
0x73: {  	_ =	shalt  }
0x74: {  	_ =	shalt  }
0x75: {  	_ =	shalt  }
0x76: {  	_ =	shalt  }
0x77: {  	_ =	shalt  }
0x78: {  	_ =	shalt  }
0x79: {  	_ =	shalt  }
0x7a: {  	_ =	shalt  }
0x7b: {  	_ =	shalt  }
0x7c: {  	_ =	shalt  }
0x7d: {  	_ =	shalt  }
0x7e: {  	_ =	shalt  }
0x7f: {  	_ =	shalt  }
0x80: {  	_ =	shalt  }
0x81: {  	_ =	shalt  }
0x82: {  	_ =	shalt  }
0x83: {  	_ =	shalt  }
0x84: {  	_ =	shalt  }
0x85: {  	_ =	shalt  }
0x86: {  	_ =	shalt  }
0x87: {  	_ =	shalt  }
.Lfunc_end0:
.L_simem_size_0:
called_computation_lowered:
.L_overlay_start_0:
0x88: {  	s2 =	sld [smem:$0x3FD9]  }
0x89: {  	s3 =	sld [smem:$0x3FFE];
	_ =	sdelay $0x1  }
0x8a: {  	s1 =	srdreg.scid  }
0x8b: {  	s0 =	sand.u32 $0x1, s1  }
0x8c: {  	s16 =	sshll.u32 s0, $0xA;
	s2 =	sadd.s32 s3, s2  }
0x8d: {  	s2 =	sadd.s32 s2, s16  }
0x8e: {  	[smem:$0x3FBC] =	sst s2  }
0x8f: {  	_ = 	snop  }
0x90: {  	(tm) =	ssettm $0x1  }
0x91: {  	s17 =	sld [smem:$0x3FFB];
	_ =	sdelay $0x3  }
0x92: {  	_ =	strace s17  }
0x93: {  	s2 =	sld [smem:$0x3FFC];
	_ =	sdelay $0x3  }
0x94: {  	_ =	strace s2  }
0x95: {  	s2 =	sld [smem:$0x3FFD];
	_ =	sdelay $0x3  }
0x96: {  	_ =	strace s2  }
0x97: {  	_ =	strace $0x8FFFFFFF  }
0x98: {  	s18 =	sld [smem:$0x3FDB];
	_ =	sdelay $0x1  }
0x99: {  	s19 =	simm.s32 $_scs_section_size  }
0x9a: {  	s4 =	simm.s32 $_size__tile_overlayer_lowered;
	s5 =	simm.s32 $_tile_overlayer_lowered  }
0x9b: {  	s22 =	simm.s32 $0x1BFF;
	s21 =	sshll.u32 s5, $0x1;
	s2 =	sadd.s32 s19, s18  }
0x9c: {  	s6 =	simm.s32 $0x0;
	s20 =	sshll.u32 s4, $0x1;
	s4 =	sadd.s32 s21, s2  }
0x9d: {  	[timem:s6], [sflag:s22] =	dma.local [hbm:s4], s20  }
0x9e: {  	_ =	swait.ge [sflag:s22], s20  }
0x9f: {  	s3 =	ssub.s32 $0x0, s20;
	[sflag:s22] =	ssyncset.done $0x0  }
0xa0: {  	[sflag:s22] =	ssyncadd.s32 s3;
	_ =	sdelay $0x1  }
0xa1: {  	s23 =	simm.s32 $0x1B8B  }
0xa2: {  	_ =	swait.ge [sflag:s23], $0x1  }
0xa3: {  	[sflag:s23] =	ssyncset.done $0x0  }
0xa4: {  	s25 =	simm.s32 $0x1B8E;
	s24 =	sld [smem:$0x3FFE];
	[sflag:s23] =	ssyncadd.s32 $0xFFFFFFFF  }
0xa5: {  	s26 =	simm.s32 $execute0_lowered;
	[smem:$0x3FD2] =	sst s25  }
0xa6: {  	s4 =	sshll.u32 s26, $0x1;
	_ =	strace $0x80000046;
	[dreg:$0x1] =	wrdreg $0xFFFFFFFF  }
0xa7: {  	s28 =	simm.s32 $_size_execute0_lowered;
	s2 =	sadd.s32 s2, s4;
	[dreg:$0x0] =	wrdreg $0x0  }
0xa8: {  	s4 =	sshll.u32 s28, $0x1;
	[dreg:$0x2] =	wrdreg s2  }
0xa9: {  	[dreg:$0x3] =	wrdreg s4  }
0xaa: {  	[dreg:$0x4] =	wrdreg $0xC0  }
0xab: {  	_ =	task [dreg:s6], $0x5FFFF  }
0xac: {  	[dreg:$0x1] =	wrdreg $0xFFFFFFFF  }
0xad: {  	[dreg:$0x0] =	wrdreg $0x60  }
0xae: {  	[dreg:$0x2] =	wrdreg s24  }
0xaf: {  	[dreg:$0x3] =	wrdreg $0x9  }
0xb0: {  	_ =	task.clear_ibuf [dreg:s6], $0x4FFFF;
	_ =	strace $0x90000046  }
0xb1: {  	s29 =	simm.s32 $0x9;
	_ =	strace $0x80000048  }
0xb2: {  	_ =	swait.ge [sflag:s29], $0x1  }
0xb3: {  	[sflag:s29] =	ssyncadd.s32 $0xFFFFFFFF  }
0xb4: {  	_ =	strace $0x90000048  }
0xb5: {  	_ =	sfence  }
0xb6: {  	s30 =	sld [smem:$0x0];
	_ =	sdelay $0x2  }
0xb7: {  	s31 =	sshll.u32 s1, $0xD;
	s1 =	sshrl.u32 s1, $0x2  }
0xb8: {  	s3 =	sand.u32 $0x4000, s31;
	s1 =	sadd.s32 s1, s30  }
0xb9: {  	s0 =	sor.u32 s3, s0;
	s1 =	sshll.u32 s1, $0x11  }
0xba: {  	s0 =	sor.u32 s1, s0  }
0xbb: {  	s0 =	sadd.s32 $0x8F2B, s0  }
0xbc: {  	[sflag:s0] =	ssyncadd.remote.s32 $0x1  }
0xbd: {  	_ =	sfence.sel $0xFFFF  }
0xbe: {  	[dreg:$0x0] =	wrdreg $0xFFFFFFFF;
	(pc) =	sbr.abs _section_cstart, $3  }
0xbf: {  	[dreg:$0x1] =	wrdreg $0xFFFFFFFF  }
0xc0: {  	_ =	task.clear_ibuf [dreg:s6], $0x2FFFF;
	_ =	strace $0x9FFFFFFF  }
0xc1: {  	(tm) =	ssettm $0x7FFFFFFF  }
tec
execute0_lowered:
.L_overlay_start_1:
0x0: {  	(tag) =	ssettag $0x1  }
0x1: {  	s1 =	srdreg.scid  }
0x2: {  	s0 =	stileid.u32;
	s3 =	rddreg [dreg:$0x0];
	s2 =	simm.s32 $0x0  }
0x3: {  	s8 =	simm.s32 $0xA00;
	s4 =	sand.u32 $0x1, s1;
	s5 =	sshll.u32 s0, $0x1  }
0x4: {  	s9 =	simm.s32 $0x500;
	s1 =	rddreg [dreg:$0x1];
	s5 =	sor.u32 s4, s5  }
0x5: {  	s10 =	simm.s32 $0x0;
	[smem:$0x7FF] =	sst s2;
	s6 =	smul.u32 $0xA0, s5  }
0x6: {  	_ =	strace $0x80000047;
	s4 =	ssub.s32 $0x2, s4;
	s5 =	sshll.u32 s5, $0x4  }
0x7: {  	s31 =	sshrl.u32 s4, $0x1;
	s5 =	sadd.s32 s5, s3;
	s6 =	sadd.s32 s6, s3  }
0x8: {  	s7 =	ssub.s32 s4, s31;
	s4 =	sadd.s32 $0x147200, s5;
	s3 =	sadd.s32 $0x4A00, s6  }
0x9: {  	v0 =	vimm.s32 $0xA000;
	v1 =	vimm.s32 $0x0;
	s5 =	sadd.s32 $0x145E00, s6;
	s6 =	smax.u32 s7, $0x1;
	s7 =	simm.s32 $0x1  }
.LBB2_1:
0xa: {  	[tilespmem:s2], [sflag:$0x1] =	stream.linear.gather [hbm4b:s3+s2], $0x500, $0x38;
	[tilespmem:$0xA80] =	vst v63  }
0xb: {  	_ =	swait.ge [sflag:s7], $0x500  }
0xc: {  	[sflag:s7] =	ssyncset.done $0x0  }
0xd: {  	s11 =	simm.s32 $0x40;
	s12 =	simm.s32 $0x0;
	[sflag:s7] =	ssyncadd.s32 $0xFFFFFB00  }
.LBB2_2:
0xe: {  	p0 =	sne.s32 s11, $0x13C0;
	[tilespmem:s12+$0x500] =	vst v0;
	s12 =	smov.u32 s11;
	s11 =	sadd.s32 $0x40, s11  }
.Ltmp0:
0xf: {  	(pc) =	sbr.rel @p0 .LBB2_2-.Ltmp0, $2  }
0x10: {  	_ =	sdelay $0x2  }
0x11: {  	s12 =	sshra.s32 s12, $0x2  }
0x12: {  	[tilespmem:s12+$0x500] =	vst v0  }
0x13: {  	[tilespmem:$0xA00] =	vst v1  }
0x14: {  	[hbm4b:s4+s2] =	stream.linear.scatter [tilespmem:s8], [sflag:$0x1], $0x80, $0x38;
	[tilespmem:$0xA80] =	vst v63  }
0x15: {  	s10 =	sadd.s32 $0x1, s10;
	_ =	swait.ge [sflag:s7], $0x80  }
0x16: {  	p0 =	sne.s32 s10, s6;
	[sflag:s7] =	ssyncset.done $0x0  }
.Ltmp1:
0x17: {  	[sflag:s7] =	ssyncadd.s32 $0xFFFFFF80;
	(pc) =	sbr.rel @p0 .LBB2_1-.Ltmp1, $4  }
0x18: {  	[hbm4b:s5+s2] =	stream.linear.scatter [tilespmem:s9], [sflag:$0x1], $0x500, $0x38;
	[tilespmem:$0xA80] =	vst v63  }
0x19: {  	_ =	swait.ge [sflag:s7], $0x500  }
0x1a: {  	[sflag:s7] =	ssyncset.done $0x0  }
0x1b: {  	[sflag:s7] =	ssyncadd.s32 $0xFFFFFB00  }
0x1c: {  	_ =	sfence.sel $0x180000  }
0x1d: {  	[bflag:$0x0] =	sbarrier.arrive $0xFFFF  }
0x1e: {  	p0 =	sne.s32 s0, $0x0;
	_ =	strace $0x90000047  }
0x1f: {  	s0 =	sadd.s32 @!p0 $0x100000, s1;
	[bflag:$0x2] =	sbarrier.arrive $0xFFFF  }
0x20: {  	[sflag:s0] =	ssyncadd.tile.s32 @!p0 $0x1;
	_ =	shalt  }
.Lfunc_end2:
_tile_overlayer_lowered:
.L_overlay_start_2:
0x21: {  	(tag) =	ssettag $0x2  }
0x22: {  	s0 =	rddreg [dreg:$0x0];
	s2 =	stileid.u32  }
0x23: {  	s1 =	rddreg [dreg:$0x1];
	p0 =	sne.s32 s2, $0x0  }
0x24: {  	s3 =	rddreg [dreg:$0x2];
	[bflag:$0x3] =	sbarrier.arrive $0xFFFF;
	s2 =	simm.s32 @!p0 $0x1C01  }
0x25: {  	[timem:s3], [sflag:s2] =	dma.local @!p0 [hbm:s0], s1  }
0x26: {  	s0 =	simm.s32 @!p0 $0x1  }
0x27: {  	_ =	swait.ge @!p0 [sflag:s0], s1  }
0x28: {  	s1 =	ssub.s32 @!p0 $0x0, s1;
	[sflag:s0] =	ssyncset.done @!p0 $0x0  }
0x29: {  	[sflag:s0] =	ssyncadd.s32 @!p0 s1  }
0x2a: {  	[bflag:$0x3] =	sbarrier.arrive $0xFFFF  }
0x2b: {  	_ =	shalt  }

</sc_bundles>
